<compile_context>
chip_gen: v7x
topology: tpu7x:2x2x1
jax: 0.10.2.dev20260603
libtpu: 0.0.44.dev20260713+nightly
codegen_flags: <defaults>
</compile_context>

<pallas_src>
import functools

import jax
import jax.numpy as jnp
from jax import lax
from jax.experimental import pallas as pl
from jax.experimental.pallas import tpu as pltpu
from jax.experimental.pallas import tpu_sc as plsc


def _make_gather(Bb, S, V, D):
    info = plsc.get_sparse_core_info()
    NC, NS = info.num_cores, info.num_subcores
    NW = NC * NS
    B = Bb * S
    assert B % NW == 0 and S % (B // NW) == 0
    b_per_w = B // NW
    w_per_row = S // b_per_w
    CH = 32
    NB = 3
    assert b_per_w % CH == 0
    n_ch = b_per_w // CH

    mesh = plsc.VectorSubcoreMesh(core_axis_name="c", subcore_axis_name="s")

    @functools.partial(
        pl.kernel,
        mesh=mesh,
        out_type=jax.ShapeDtypeStruct((Bb, S, D), jnp.float32),
        scratch_types=[
            pltpu.VMEM((b_per_w,), jnp.int32),
            pltpu.VMEM((NB, CH, D), jnp.float32),
        ]
        + [pltpu.SemaphoreType.DMA] * (2 * NB),
    )
    def gather_kernel(ids_hbm, table_hbm, out_hbm, idx_v, rows_v, *sems):
        sg = sems[:NB]
        so = sems[NB:]
        wid = lax.axis_index("s") * NC + lax.axis_index("c")
        b_row = wid // w_per_row
        s0 = (wid % w_per_row) * b_per_w
        pltpu.sync_copy(ids_hbm.at[b_row, pl.ds(s0, b_per_w)], idx_v)

        def start_gather(c):
            return pltpu.async_copy(
                table_hbm.at[idx_v.at[pl.ds(c * CH, CH)]],
                rows_v.at[c % NB],
                sg[c % NB],
            )

        def start_out(c):
            return pltpu.async_copy(
                rows_v.at[c % NB],
                out_hbm.at[b_row, pl.ds(s0 + c * CH, CH)],
                so[c % NB],
            )

        gathers, outs = {}, {}
        fired = 0
        while fired < min(NB - 1, n_ch):
            gathers[fired] = start_gather(fired)
            fired += 1
        for c in range(n_ch):
            if fired < n_ch:
                prev_out = fired - NB
                if prev_out >= 0:
                    outs.pop(prev_out).wait()
                gathers[fired] = start_gather(fired)
                fired += 1
            gathers.pop(c).wait()
            outs[c] = start_out(c)
        for c in sorted(outs):
            outs.pop(c).wait()

    return gather_kernel


def kernel(position_ids, table):
    Bb, S = position_ids.shape
    V, D = table.shape
    ids = position_ids.astype(jnp.int32)
    return _make_gather(Bb, S, V, D)(ids, table)

# --- scband reference (transcript-rebuilt; emitter-appended) ---
"""Pipeline reference for scband-positional-embedding-9405978378790 (READ-ONLY COPY).

The authoritative reference and input builder live on the scoring server;
editing this copy changes nothing except your own understanding.
"""

import jax, jax.numpy as jnp
import numpy as np

MAX_POS = 8192
EMBED = 1024
BATCH = 4
SEQ = 4096

def setup_inputs(seed: int = 0) -> dict:
    key = jax.random.key(seed)
    k_ids, k_tab = jax.random.split(key)
    position_ids = jax.random.randint(k_ids, (BATCH, SEQ), 0, MAX_POS, dtype=jnp.int64 if jax.config.jax_enable_x64 else jnp.int32)
    table = jax.random.normal(k_tab, (MAX_POS, EMBED), dtype=jnp.float32) * 0.02
    return {"position_ids": position_ids, "table": table}

def reference(position_ids, table):
    # nn.Embedding lookup: gather rows of the table
    return jnp.take(table, position_ids, axis=0)

if __name__ == "__main__":
    import jax
    _d = setup_inputs()
    print(jax.jit(kernel)(*tuple(_d.values())))

</pallas_src>

<mosaic_0001>
#map = affine_map<(d0, d1) -> (0, 0)>
#map1 = affine_map<(d0, d1) -> (0, 0, 0)>
module attributes {stable_mosaic.version = 14 : i64} {
  func.func @gather_kernel(%arg0: i32, %arg1: i32, %arg2: memref<4x4096xi32, #tpu.memory_space<hbm>>, %arg3: memref<8192x1024xf32, #tpu.memory_space<hbm>>, %arg4: memref<4x4096x1024xf32, #tpu.memory_space<hbm>>, %arg5: memref<512xi32, #tpu.memory_space<vmem>>, %arg6: memref<3x32x1024xf32, #tpu.memory_space<vmem>>, %arg7: memref<!tpu.dma_semaphore, #tpu.memory_space<semaphore_mem>>, %arg8: memref<!tpu.dma_semaphore, #tpu.memory_space<semaphore_mem>>, %arg9: memref<!tpu.dma_semaphore, #tpu.memory_space<semaphore_mem>>, %arg10: memref<!tpu.dma_semaphore, #tpu.memory_space<semaphore_mem>>, %arg11: memref<!tpu.dma_semaphore, #tpu.memory_space<semaphore_mem>>, %arg12: memref<!tpu.dma_semaphore, #tpu.memory_space<semaphore_mem>>) attributes {dimension_semantics = [#tpu.dimension_semantics<core_parallel>, #tpu.dimension_semantics<subcore_parallel>], iteration_bounds = array<i64: 2, 16>, scalar_prefetch = 0 : i64, scratch_operands = 8 : i64, tpu.core_type = #tpu.core_type<sc_vector_subcore>, window_params = [{transform_indices = #map}, {transform_indices = #map}, {transform_indices = #map1}]} {
    %mul3A = arith.constant 2 : i32
    %mul3A_0 = arith.muli %arg1, %mul3A : i32
    %add3A = arith.addi %mul3A_0, %arg0 : i32
    %jit3A = arith.constant 8 : i32
    %div3A = arith.divsi %add3A, %jit3A : i32
    %sign3A = arith.constant 0 : i32
    %sign3A_1 = arith.cmpi sgt, %add3A, %sign3A : i32
    %sign3A_2 = arith.extui %sign3A_1 : i1 to i32
    %sign3A_3 = arith.constant 0 : i32
    %sign3A_4 = arith.cmpi slt, %add3A, %sign3A_3 : i32
    %sign3A_5 = arith.extui %sign3A_4 : i1 to i32
    %sign3A_6 = arith.subi %sign3A_2, %sign3A_5 : i32
    %sign3A_7 = arith.constant 0 : i32
    %sign3A_8 = arith.cmpi sgt, %jit3A, %sign3A_7 : i32
    %sign3A_9 = arith.extui %sign3A_8 : i1 to i32
    %sign3A_10 = arith.constant 0 : i32
    %sign3A_11 = arith.cmpi slt, %jit3A, %sign3A_10 : i32
    %sign3A_12 = arith.extui %sign3A_11 : i1 to i32
    %sign3A_13 = arith.subi %sign3A_9, %sign3A_12 : i32
    %ne3A = arith.cmpi ne, %sign3A_6, %sign3A_13 : i32
    %rem3A = arith.remsi %add3A, %jit3A : i32
    %ne3A_14 = arith.constant 0 : i32
    %ne3A_15 = arith.cmpi ne, %rem3A, %ne3A_14 : i32
    %and3A = arith.andi %ne3A, %ne3A_15 : i1
    %sub3A = arith.constant 1 : i32
    %sub3A_16 = arith.subi %div3A, %sub3A : i32
    %select_n3A = arith.select %and3A, %sub3A_16, %div3A : i32
    %jit3A_17 = arith.constant 8 : i32
    %eq3A = arith.constant 0 : i32
    %eq3A_18 = arith.cmpi eq, %jit3A_17, %eq3A : i32
    %jit3A_19 = arith.constant 1 : i32
    %select_n3A_20 = arith.select %eq3A_18, %jit3A_19, %jit3A_17 : i32
    %rem3A_21 = arith.remsi %add3A, %select_n3A_20 : i32
    %ne3A_22 = arith.constant 0 : i32
    %ne3A_23 = arith.cmpi ne, %rem3A_21, %ne3A_22 : i32
    %lt3A = arith.constant 0 : i32
    %lt3A_24 = arith.cmpi slt, %rem3A_21, %lt3A : i32
    %lt3A_25 = arith.constant 0 : i32
    %lt3A_26 = arith.cmpi slt, %select_n3A_20, %lt3A_25 : i32
    %ne3A_27 = arith.xori %lt3A_24, %lt3A_26 : i1
    %and3A_28 = arith.andi %ne3A_27, %ne3A_23 : i1
    %add3A_29 = arith.addi %rem3A_21, %select_n3A_20 : i32
    %select_n3A_30 = arith.select %and3A_28, %add3A_29, %rem3A_21 : i32
    %mul3A_31 = arith.constant 512 : i32
    %mul3A_32 = arith.muli %select_n3A_30, %mul3A_31 : i32
    "tpu.region"() ({
      %run_scoped3A = tpu.sem_alloc : memref<!tpu.dma_semaphore, #tpu.memory_space<semaphore_mem>>
      %dma_start3A_863 = tpu.memref_slice %arg2[%select_n3A, %mul3A_32] : memref<4x4096xi32, #tpu.memory_space<hbm>> -> memref<1x512xi32, #tpu.memory_space<hbm>>
      %dma_start3A_864 = tpu.memref_squeeze %dma_start3A_863 : memref<1x512xi32, #tpu.memory_space<hbm>> -> memref<512xi32, #tpu.memory_space<hbm>>
      %dma_start3A_865 = tpu.memref_slice %arg2[%select_n3A, %mul3A_32] : memref<4x4096xi32, #tpu.memory_space<hbm>> -> memref<1x512xi32, #tpu.memory_space<hbm>>
      %dma_start3A_866 = tpu.memref_squeeze %dma_start3A_865 : memref<1x512xi32, #tpu.memory_space<hbm>> -> memref<512xi32, #tpu.memory_space<hbm>>
      tpu.enqueue_dma source(%dma_start3A_866 : memref<512xi32, #tpu.memory_space<hbm>>) target(%arg5 : memref<512xi32, #tpu.memory_space<vmem>>) target_semaphore(%run_scoped3A : memref<!tpu.dma_semaphore, #tpu.memory_space<semaphore_mem>>)
      %dma_wait3A_867 = tpu.memref_slice %arg2[%select_n3A, %mul3A_32] : memref<4x4096xi32, #tpu.memory_space<hbm>> -> memref<1x512xi32, #tpu.memory_space<hbm>>
      %dma_wait3A_868 = tpu.memref_squeeze %dma_wait3A_867 : memref<1x512xi32, #tpu.memory_space<hbm>> -> memref<512xi32, #tpu.memory_space<hbm>>
      %dma_wait3A_869 = tpu.memref_slice %arg2[%select_n3A, %mul3A_32] : memref<4x4096xi32, #tpu.memory_space<hbm>> -> memref<1x512xi32, #tpu.memory_space<hbm>>
      %dma_wait3A_870 = tpu.memref_squeeze %dma_wait3A_869 : memref<1x512xi32, #tpu.memory_space<hbm>> -> memref<512xi32, #tpu.memory_space<hbm>>
      tpu.wait_dma2 semaphore(%run_scoped3A : memref<!tpu.dma_semaphore, #tpu.memory_space<semaphore_mem>>) src(%dma_wait3A_870 : memref<512xi32, #tpu.memory_space<hbm>>) dst(%arg5 : memref<512xi32, #tpu.memory_space<vmem>>)
      tpu.yield
    }) : () -> ()
    %dma_start3A = arith.constant 0 : i32
    %dma_start3A_33 = arith.constant 0 : i32
    %dma_start3A_34 = arith.constant 0 : i32
    %dma_start3A_35 = tpu.memref_slice %arg6[%dma_start3A, %dma_start3A_33, %dma_start3A_34] : memref<3x32x1024xf32, #tpu.memory_space<vmem>> -> memref<1x32x1024xf32, #tpu.memory_space<vmem>>
    %dma_start3A_36 = tpu.memref_squeeze %dma_start3A_35 : memref<1x32x1024xf32, #tpu.memory_space<vmem>> -> memref<32x1024xf32, #tpu.memory_space<vmem>>
    %dma_start3A_37 = arith.constant 0 : i32
    %dma_start3A_38 = tpu.memref_slice %arg5[%dma_start3A_37] : memref<512xi32, #tpu.memory_space<vmem>> -> memref<32xi32, #tpu.memory_space<vmem>>
    %dma_start3A_39 = arith.constant 0 : i32
    %dma_start3A_40 = arith.constant 0 : i32
    %dma_start3A_41 = tpu.memref_slice %arg3[%dma_start3A_39, %dma_start3A_40] : memref<8192x1024xf32, #tpu.memory_space<hbm>> -> memref<8192x1024xf32, #tpu.memory_space<hbm>>
    tpu.enqueue_indirect_dma source(%dma_start3A_41 : memref<8192x1024xf32, #tpu.memory_space<hbm>>) target(%dma_start3A_36 : memref<32x1024xf32, #tpu.memory_space<vmem>>) offsets(%dma_start3A_38 : memref<32xi32, #tpu.memory_space<vmem>>) semaphore(%arg7 : memref<!tpu.dma_semaphore, #tpu.memory_space<semaphore_mem>>)
    %dma_start3A_42 = arith.constant 1 : i32
    %dma_start3A_43 = arith.constant 0 : i32
    %dma_start3A_44 = arith.constant 0 : i32
    %dma_start3A_45 = tpu.memref_slice %arg6[%dma_start3A_42, %dma_start3A_43, %dma_start3A_44] : memref<3x32x1024xf32, #tpu.memory_space<vmem>> -> memref<1x32x1024xf32, #tpu.memory_space<vmem>>
    %dma_start3A_46 = tpu.memref_squeeze %dma_start3A_45 : memref<1x32x1024xf32, #tpu.memory_space<vmem>> -> memref<32x1024xf32, #tpu.memory_space<vmem>>
    %dma_start3A_47 = arith.constant 32 : i32
    %dma_start3A_48 = tpu.memref_slice %arg5[%dma_start3A_47] : memref<512xi32, #tpu.memory_space<vmem>> -> memref<32xi32, #tpu.memory_space<vmem>>
    %dma_start3A_49 = arith.constant 0 : i32
    %dma_start3A_50 = arith.constant 0 : i32
    %dma_start3A_51 = tpu.memref_slice %arg3[%dma_start3A_49, %dma_start3A_50] : memref<8192x1024xf32, #tpu.memory_space<hbm>> -> memref<8192x1024xf32, #tpu.memory_space<hbm>>
    tpu.enqueue_indirect_dma source(%dma_start3A_51 : memref<8192x1024xf32, #tpu.memory_space<hbm>>) target(%dma_start3A_46 : memref<32x1024xf32, #tpu.memory_space<vmem>>) offsets(%dma_start3A_48 : memref<32xi32, #tpu.memory_space<vmem>>) semaphore(%arg8 : memref<!tpu.dma_semaphore, #tpu.memory_space<semaphore_mem>>)
    %dma_start3A_52 = arith.constant 2 : i32
    %dma_start3A_53 = arith.constant 0 : i32
    %dma_start3A_54 = arith.constant 0 : i32
    %dma_start3A_55 = tpu.memref_slice %arg6[%dma_start3A_52, %dma_start3A_53, %dma_start3A_54] : memref<3x32x1024xf32, #tpu.memory_space<vmem>> -> memref<1x32x1024xf32, #tpu.memory_space<vmem>>
    %dma_start3A_56 = tpu.memref_squeeze %dma_start3A_55 : memref<1x32x1024xf32, #tpu.memory_space<vmem>> -> memref<32x1024xf32, #tpu.memory_space<vmem>>
    %dma_start3A_57 = arith.constant 64 : i32
    %dma_start3A_58 = tpu.memref_slice %arg5[%dma_start3A_57] : memref<512xi32, #tpu.memory_space<vmem>> -> memref<32xi32, #tpu.memory_space<vmem>>
    %dma_start3A_59 = arith.constant 0 : i32
    %dma_start3A_60 = arith.constant 0 : i32
    %dma_start3A_61 = tpu.memref_slice %arg3[%dma_start3A_59, %dma_start3A_60] : memref<8192x1024xf32, #tpu.memory_space<hbm>> -> memref<8192x1024xf32, #tpu.memory_space<hbm>>
    tpu.enqueue_indirect_dma source(%dma_start3A_61 : memref<8192x1024xf32, #tpu.memory_space<hbm>>) target(%dma_start3A_56 : memref<32x1024xf32, #tpu.memory_space<vmem>>) offsets(%dma_start3A_58 : memref<32xi32, #tpu.memory_space<vmem>>) semaphore(%arg9 : memref<!tpu.dma_semaphore, #tpu.memory_space<semaphore_mem>>)
    %dma_wait3A = arith.constant 0 : i32
    %dma_wait3A_62 = arith.constant 0 : i32
    %dma_wait3A_63 = arith.constant 0 : i32
    %dma_wait3A_64 = tpu.memref_slice %arg6[%dma_wait3A, %dma_wait3A_62, %dma_wait3A_63] : memref<3x32x1024xf32, #tpu.memory_space<vmem>> -> memref<1x32x1024xf32, #tpu.memory_space<vmem>>
    %dma_wait3A_65 = tpu.memref_squeeze %dma_wait3A_64 : memref<1x32x1024xf32, #tpu.memory_space<vmem>> -> memref<32x1024xf32, #tpu.memory_space<vmem>>
    %dma_wait3A_66 = arith.constant 0 : i32
    %dma_wait3A_67 = tpu.memref_slice %arg5[%dma_wait3A_66] : memref<512xi32, #tpu.memory_space<vmem>> -> memref<32xi32, #tpu.memory_space<vmem>>
    %dma_wait3A_68 = arith.constant 0 : i32
    %dma_wait3A_69 = arith.constant 0 : i32
    %dma_wait3A_70 = tpu.memref_slice %arg3[%dma_wait3A_68, %dma_wait3A_69] : memref<8192x1024xf32, #tpu.memory_space<hbm>> -> memref<8192x1024xf32, #tpu.memory_space<hbm>>
    tpu.wait_indirect_dma semaphore(%arg7 : memref<!tpu.dma_semaphore, #tpu.memory_space<semaphore_mem>>) src(%dma_wait3A_70 : memref<8192x1024xf32, #tpu.memory_space<hbm>>) dst(%dma_wait3A_65 : memref<32x1024xf32, #tpu.memory_space<vmem>>)
    %add3A_71 = arith.constant 0 : i32
    %add3A_72 = arith.addi %mul3A_32, %add3A_71 : i32
    %dma_start3A_73 = arith.constant 0 : i32
    %dma_start3A_74 = arith.constant 0 : i32
    %dma_start3A_75 = arith.constant 0 : i32
    %dma_start3A_76 = tpu.memref_slice %arg6[%dma_start3A_73, %dma_start3A_74, %dma_start3A_75] : memref<3x32x1024xf32, #tpu.memory_space<vmem>> -> memref<1x32x1024xf32, #tpu.memory_space<vmem>>
    %dma_start3A_77 = tpu.memref_squeeze %dma_start3A_76 : memref<1x32x1024xf32, #tpu.memory_space<vmem>> -> memref<32x1024xf32, #tpu.memory_space<vmem>>
    %dma_start3A_78 = arith.constant 0 : i32
    %dma_start3A_79 = tpu.memref_slice %arg4[%select_n3A, %add3A_72, %dma_start3A_78] : memref<4x4096x1024xf32, #tpu.memory_space<hbm>> -> memref<1x32x1024xf32, #tpu.memory_space<hbm>>
    %dma_start3A_80 = tpu.memref_squeeze %dma_start3A_79 : memref<1x32x1024xf32, #tpu.memory_space<hbm>> -> memref<32x1024xf32, #tpu.memory_space<hbm>>
    %dma_start3A_81 = arith.constant 0 : i32
    %dma_start3A_82 = tpu.memref_slice %arg4[%select_n3A, %add3A_72, %dma_start3A_81] : memref<4x4096x1024xf32, #tpu.memory_space<hbm>> -> memref<1x32x1024xf32, #tpu.memory_space<hbm>>
    %dma_start3A_83 = tpu.memref_squeeze %dma_start3A_82 : memref<1x32x1024xf32, #tpu.memory_space<hbm>> -> memref<32x1024xf32, #tpu.memory_space<hbm>>
    %dma_start3A_84 = arith.constant 0 : i32
    %dma_start3A_85 = arith.constant 0 : i32
    %dma_start3A_86 = tpu.memref_slice %arg6[%dma_start3A_73, %dma_start3A_84, %dma_start3A_85] : memref<3x32x1024xf32, #tpu.memory_space<vmem>> -> memref<1x32x1024xf32, #tpu.memory_space<vmem>>
    %dma_start3A_87 = tpu.memref_squeeze %dma_start3A_86 : memref<1x32x1024xf32, #tpu.memory_space<vmem>> -> memref<32x1024xf32, #tpu.memory_space<vmem>>
    tpu.enqueue_dma source(%dma_start3A_87 : memref<32x1024xf32, #tpu.memory_space<vmem>>) target(%dma_start3A_83 : memref<32x1024xf32, #tpu.memory_space<hbm>>) target_semaphore(%arg10 : memref<!tpu.dma_semaphore, #tpu.memory_space<semaphore_mem>>)
    %dma_wait3A_88 = arith.constant 0 : i32
    %dma_wait3A_89 = arith.constant 0 : i32
    %dma_wait3A_90 = arith.constant 0 : i32
    %dma_wait3A_91 = tpu.memref_slice %arg6[%dma_wait3A_88, %dma_wait3A_89, %dma_wait3A_90] : memref<3x32x1024xf32, #tpu.memory_space<vmem>> -> memref<1x32x1024xf32, #tpu.memory_space<vmem>>
    %dma_wait3A_92 = tpu.memref_squeeze %dma_wait3A_91 : memref<1x32x1024xf32, #tpu.memory_space<vmem>> -> memref<32x1024xf32, #tpu.memory_space<vmem>>
    %dma_wait3A_93 = arith.constant 0 : i32
    %dma_wait3A_94 = tpu.memref_slice %arg4[%select_n3A, %add3A_72, %dma_wait3A_93] : memref<4x4096x1024xf32, #tpu.memory_space<hbm>> -> memref<1x32x1024xf32, #tpu.memory_space<hbm>>
    %dma_wait3A_95 = tpu.memref_squeeze %dma_wait3A_94 : memref<1x32x1024xf32, #tpu.memory_space<hbm>> -> memref<32x1024xf32, #tpu.memory_space<hbm>>
    %dma_wait3A_96 = arith.constant 0 : i32
    %dma_wait3A_97 = tpu.memref_slice %arg4[%select_n3A, %add3A_72, %dma_wait3A_96] : memref<4x4096x1024xf32, #tpu.memory_space<hbm>> -> memref<1x32x1024xf32, #tpu.memory_space<hbm>>
    %dma_wait3A_98 = tpu.memref_squeeze %dma_wait3A_97 : memref<1x32x1024xf32, #tpu.memory_space<hbm>> -> memref<32x1024xf32, #tpu.memory_space<hbm>>
    %dma_wait3A_99 = arith.constant 0 : i32
    %dma_wait3A_100 = arith.constant 0 : i32
    %dma_wait3A_101 = tpu.memref_slice %arg6[%dma_wait3A_88, %dma_wait3A_99, %dma_wait3A_100] : memref<3x32x1024xf32, #tpu.memory_space<vmem>> -> memref<1x32x1024xf32, #tpu.memory_space<vmem>>
    %dma_wait3A_102 = tpu.memref_squeeze %dma_wait3A_101 : memref<1x32x1024xf32, #tpu.memory_space<vmem>> -> memref<32x1024xf32, #tpu.memory_space<vmem>>
    tpu.wait_dma2 semaphore(%arg10 : memref<!tpu.dma_semaphore, #tpu.memory_space<semaphore_mem>>) src(%dma_wait3A_102 : memref<32x1024xf32, #tpu.memory_space<vmem>>) dst(%dma_wait3A_98 : memref<32x1024xf32, #tpu.memory_space<hbm>>)
    %dma_start3A_103 = arith.constant 0 : i32
    %dma_start3A_104 = arith.constant 0 : i32
    %dma_start3A_105 = arith.constant 0 : i32
    %dma_start3A_106 = tpu.memref_slice %arg6[%dma_start3A_103, %dma_start3A_104, %dma_start3A_105] : memref<3x32x1024xf32, #tpu.memory_space<vmem>> -> memref<1x32x1024xf32, #tpu.memory_space<vmem>>
    %dma_start3A_107 = tpu.memref_squeeze %dma_start3A_106 : memref<1x32x1024xf32, #tpu.memory_space<vmem>> -> memref<32x1024xf32, #tpu.memory_space<vmem>>
    %dma_start3A_108 = arith.constant 96 : i32
    %dma_start3A_109 = tpu.memref_slice %arg5[%dma_start3A_108] : memref<512xi32, #tpu.memory_space<vmem>> -> memref<32xi32, #tpu.memory_space<vmem>>
    %dma_start3A_110 = arith.constant 0 : i32
    %dma_start3A_111 = arith.constant 0 : i32
    %dma_start3A_112 = tpu.memref_slice %arg3[%dma_start3A_110, %dma_start3A_111] : memref<8192x1024xf32, #tpu.memory_space<hbm>> -> memref<8192x1024xf32, #tpu.memory_space<hbm>>
    tpu.enqueue_indirect_dma source(%dma_start3A_112 : memref<8192x1024xf32, #tpu.memory_space<hbm>>) target(%dma_start3A_107 : memref<32x1024xf32, #tpu.memory_space<vmem>>) offsets(%dma_start3A_109 : memref<32xi32, #tpu.memory_space<vmem>>) semaphore(%arg7 : memref<!tpu.dma_semaphore, #tpu.memory_space<semaphore_mem>>)
    %dma_wait3A_113 = arith.constant 1 : i32
    %dma_wait3A_114 = arith.constant 0 : i32
    %dma_wait3A_115 = arith.constant 0 : i32
    %dma_wait3A_116 = tpu.memref_slice %arg6[%dma_wait3A_113, %dma_wait3A_114, %dma_wait3A_115] : memref<3x32x1024xf32, #tpu.memory_space<vmem>> -> memref<1x32x1024xf32, #tpu.memory_space<vmem>>
    %dma_wait3A_117 = tpu.memref_squeeze %dma_wait3A_116 : memref<1x32x1024xf32, #tpu.memory_space<vmem>> -> memref<32x1024xf32, #tpu.memory_space<vmem>>
    %dma_wait3A_118 = arith.constant 32 : i32
    %dma_wait3A_119 = tpu.memref_slice %arg5[%dma_wait3A_118] : memref<512xi32, #tpu.memory_space<vmem>> -> memref<32xi32, #tpu.memory_space<vmem>>
    %dma_wait3A_120 = arith.constant 0 : i32
    %dma_wait3A_121 = arith.constant 0 : i32
    %dma_wait3A_122 = tpu.memref_slice %arg3[%dma_wait3A_120, %dma_wait3A_121] : memref<8192x1024xf32, #tpu.memory_space<hbm>> -> memref<8192x1024xf32, #tpu.memory_space<hbm>>
    tpu.wait_indirect_dma semaphore(%arg8 : memref<!tpu.dma_semaphore, #tpu.memory_space<semaphore_mem>>) src(%dma_wait3A_122 : memref<8192x1024xf32, #tpu.memory_space<hbm>>) dst(%dma_wait3A_117 : memref<32x1024xf32, #tpu.memory_space<vmem>>)
    %add3A_123 = arith.constant 32 : i32
    %add3A_124 = arith.addi %mul3A_32, %add3A_123 : i32
    %dma_start3A_125 = arith.constant 1 : i32
    %dma_start3A_126 = arith.constant 0 : i32
    %dma_start3A_127 = arith.constant 0 : i32
    %dma_start3A_128 = tpu.memref_slice %arg6[%dma_start3A_125, %dma_start3A_126, %dma_start3A_127] : memref<3x32x1024xf32, #tpu.memory_space<vmem>> -> memref<1x32x1024xf32, #tpu.memory_space<vmem>>
    %dma_start3A_129 = tpu.memref_squeeze %dma_start3A_128 : memref<1x32x1024xf32, #tpu.memory_space<vmem>> -> memref<32x1024xf32, #tpu.memory_space<vmem>>
    %dma_start3A_130 = arith.constant 0 : i32
    %dma_start3A_131 = tpu.memref_slice %arg4[%select_n3A, %add3A_124, %dma_start3A_130] : memref<4x4096x1024xf32, #tpu.memory_space<hbm>> -> memref<1x32x1024xf32, #tpu.memory_space<hbm>>
    %dma_start3A_132 = tpu.memref_squeeze %dma_start3A_131 : memref<1x32x1024xf32, #tpu.memory_space<hbm>> -> memref<32x1024xf32, #tpu.memory_space<hbm>>
    %dma_start3A_133 = arith.constant 0 : i32
    %dma_start3A_134 = tpu.memref_slice %arg4[%select_n3A, %add3A_124, %dma_start3A_133] : memref<4x4096x1024xf32, #tpu.memory_space<hbm>> -> memref<1x32x1024xf32, #tpu.memory_space<hbm>>
    %dma_start3A_135 = tpu.memref_squeeze %dma_start3A_134 : memref<1x32x1024xf32, #tpu.memory_space<hbm>> -> memref<32x1024xf32, #tpu.memory_space<hbm>>
    %dma_start3A_136 = arith.constant 0 : i32
    %dma_start3A_137 = arith.constant 0 : i32
    %dma_start3A_138 = tpu.memref_slice %arg6[%dma_start3A_125, %dma_start3A_136, %dma_start3A_137] : memref<3x32x1024xf32, #tpu.memory_space<vmem>> -> memref<1x32x1024xf32, #tpu.memory_space<vmem>>
    %dma_start3A_139 = tpu.memref_squeeze %dma_start3A_138 : memref<1x32x1024xf32, #tpu.memory_space<vmem>> -> memref<32x1024xf32, #tpu.memory_space<vmem>>
    tpu.enqueue_dma source(%dma_start3A_139 : memref<32x1024xf32, #tpu.memory_space<vmem>>) target(%dma_start3A_135 : memref<32x1024xf32, #tpu.memory_space<hbm>>) target_semaphore(%arg11 : memref<!tpu.dma_semaphore, #tpu.memory_space<semaphore_mem>>)
    %dma_wait3A_140 = arith.constant 1 : i32
    %dma_wait3A_141 = arith.constant 0 : i32
    %dma_wait3A_142 = arith.constant 0 : i32
    %dma_wait3A_143 = tpu.memref_slice %arg6[%dma_wait3A_140, %dma_wait3A_141, %dma_wait3A_142] : memref<3x32x1024xf32, #tpu.memory_space<vmem>> -> memref<1x32x1024xf32, #tpu.memory_space<vmem>>
    %dma_wait3A_144 = tpu.memref_squeeze %dma_wait3A_143 : memref<1x32x1024xf32, #tpu.memory_space<vmem>> -> memref<32x1024xf32, #tpu.memory_space<vmem>>
    %dma_wait3A_145 = arith.constant 0 : i32
    %dma_wait3A_146 = tpu.memref_slice %arg4[%select_n3A, %add3A_124, %dma_wait3A_145] : memref<4x4096x1024xf32, #tpu.memory_space<hbm>> -> memref<1x32x1024xf32, #tpu.memory_space<hbm>>
    %dma_wait3A_147 = tpu.memref_squeeze %dma_wait3A_146 : memref<1x32x1024xf32, #tpu.memory_space<hbm>> -> memref<32x1024xf32, #tpu.memory_space<hbm>>
    %dma_wait3A_148 = arith.constant 0 : i32
    %dma_wait3A_149 = tpu.memref_slice %arg4[%select_n3A, %add3A_124, %dma_wait3A_148] : memref<4x4096x1024xf32, #tpu.memory_space<hbm>> -> memref<1x32x1024xf32, #tpu.memory_space<hbm>>
    %dma_wait3A_150 = tpu.memref_squeeze %dma_wait3A_149 : memref<1x32x1024xf32, #tpu.memory_space<hbm>> -> memref<32x1024xf32, #tpu.memory_space<hbm>>
    %dma_wait3A_151 = arith.constant 0 : i32
    %dma_wait3A_152 = arith.constant 0 : i32
    %dma_wait3A_153 = tpu.memref_slice %arg6[%dma_wait3A_140, %dma_wait3A_151, %dma_wait3A_152] : memref<3x32x1024xf32, #tpu.memory_space<vmem>> -> memref<1x32x1024xf32, #tpu.memory_space<vmem>>
    %dma_wait3A_154 = tpu.memref_squeeze %dma_wait3A_153 : memref<1x32x1024xf32, #tpu.memory_space<vmem>> -> memref<32x1024xf32, #tpu.memory_space<vmem>>
    tpu.wait_dma2 semaphore(%arg11 : memref<!tpu.dma_semaphore, #tpu.memory_space<semaphore_mem>>) src(%dma_wait3A_154 : memref<32x1024xf32, #tpu.memory_space<vmem>>) dst(%dma_wait3A_150 : memref<32x1024xf32, #tpu.memory_space<hbm>>)
    %dma_start3A_155 = arith.constant 1 : i32
    %dma_start3A_156 = arith.constant 0 : i32
    %dma_start3A_157 = arith.constant 0 : i32
    %dma_start3A_158 = tpu.memref_slice %arg6[%dma_start3A_155, %dma_start3A_156, %dma_start3A_157] : memref<3x32x1024xf32, #tpu.memory_space<vmem>> -> memref<1x32x1024xf32, #tpu.memory_space<vmem>>
    %dma_start3A_159 = tpu.memref_squeeze %dma_start3A_158 : memref<1x32x1024xf32, #tpu.memory_space<vmem>> -> memref<32x1024xf32, #tpu.memory_space<vmem>>
    %dma_start3A_160 = arith.constant 128 : i32
    %dma_start3A_161 = tpu.memref_slice %arg5[%dma_start3A_160] : memref<512xi32, #tpu.memory_space<vmem>> -> memref<32xi32, #tpu.memory_space<vmem>>
    %dma_start3A_162 = arith.constant 0 : i32
    %dma_start3A_163 = arith.constant 0 : i32
    %dma_start3A_164 = tpu.memref_slice %arg3[%dma_start3A_162, %dma_start3A_163] : memref<8192x1024xf32, #tpu.memory_space<hbm>> -> memref<8192x1024xf32, #tpu.memory_space<hbm>>
    tpu.enqueue_indirect_dma source(%dma_start3A_164 : memref<8192x1024xf32, #tpu.memory_space<hbm>>) target(%dma_start3A_159 : memref<32x1024xf32, #tpu.memory_space<vmem>>) offsets(%dma_start3A_161 : memref<32xi32, #tpu.memory_space<vmem>>) semaphore(%arg8 : memref<!tpu.dma_semaphore, #tpu.memory_space<semaphore_mem>>)
    %dma_wait3A_165 = arith.constant 2 : i32
    %dma_wait3A_166 = arith.constant 0 : i32
    %dma_wait3A_167 = arith.constant 0 : i32
    %dma_wait3A_168 = tpu.memref_slice %arg6[%dma_wait3A_165, %dma_wait3A_166, %dma_wait3A_167] : memref<3x32x1024xf32, #tpu.memory_space<vmem>> -> memref<1x32x1024xf32, #tpu.memory_space<vmem>>
    %dma_wait3A_169 = tpu.memref_squeeze %dma_wait3A_168 : memref<1x32x1024xf32, #tpu.memory_space<vmem>> -> memref<32x1024xf32, #tpu.memory_space<vmem>>
    %dma_wait3A_170 = arith.constant 64 : i32
    %dma_wait3A_171 = tpu.memref_slice %arg5[%dma_wait3A_170] : memref<512xi32, #tpu.memory_space<vmem>> -> memref<32xi32, #tpu.memory_space<vmem>>
    %dma_wait3A_172 = arith.constant 0 : i32
    %dma_wait3A_173 = arith.constant 0 : i32
    %dma_wait3A_174 = tpu.memref_slice %arg3[%dma_wait3A_172, %dma_wait3A_173] : memref<8192x1024xf32, #tpu.memory_space<hbm>> -> memref<8192x1024xf32, #tpu.memory_space<hbm>>
    tpu.wait_indirect_dma semaphore(%arg9 : memref<!tpu.dma_semaphore, #tpu.memory_space<semaphore_mem>>) src(%dma_wait3A_174 : memref<8192x1024xf32, #tpu.memory_space<hbm>>) dst(%dma_wait3A_169 : memref<32x1024xf32, #tpu.memory_space<vmem>>)
    %add3A_175 = arith.constant 64 : i32
    %add3A_176 = arith.addi %mul3A_32, %add3A_175 : i32
    %dma_start3A_177 = arith.constant 2 : i32
    %dma_start3A_178 = arith.constant 0 : i32
    %dma_start3A_179 = arith.constant 0 : i32
    %dma_start3A_180 = tpu.memref_slice %arg6[%dma_start3A_177, %dma_start3A_178, %dma_start3A_179] : memref<3x32x1024xf32, #tpu.memory_space<vmem>> -> memref<1x32x1024xf32, #tpu.memory_space<vmem>>
    %dma_start3A_181 = tpu.memref_squeeze %dma_start3A_180 : memref<1x32x1024xf32, #tpu.memory_space<vmem>> -> memref<32x1024xf32, #tpu.memory_space<vmem>>
    %dma_start3A_182 = arith.constant 0 : i32
    %dma_start3A_183 = tpu.memref_slice %arg4[%select_n3A, %add3A_176, %dma_start3A_182] : memref<4x4096x1024xf32, #tpu.memory_space<hbm>> -> memref<1x32x1024xf32, #tpu.memory_space<hbm>>
    %dma_start3A_184 = tpu.memref_squeeze %dma_start3A_183 : memref<1x32x1024xf32, #tpu.memory_space<hbm>> -> memref<32x1024xf32, #tpu.memory_space<hbm>>
    %dma_start3A_185 = arith.constant 0 : i32
    %dma_start3A_186 = tpu.memref_slice %arg4[%select_n3A, %add3A_176, %dma_start3A_185] : memref<4x4096x1024xf32, #tpu.memory_space<hbm>> -> memref<1x32x1024xf32, #tpu.memory_space<hbm>>
    %dma_start3A_187 = tpu.memref_squeeze %dma_start3A_186 : memref<1x32x1024xf32, #tpu.memory_space<hbm>> -> memref<32x1024xf32, #tpu.memory_space<hbm>>
    %dma_start3A_188 = arith.constant 0 : i32
    %dma_start3A_189 = arith.constant 0 : i32
    %dma_start3A_190 = tpu.memref_slice %arg6[%dma_start3A_177, %dma_start3A_188, %dma_start3A_189] : memref<3x32x1024xf32, #tpu.memory_space<vmem>> -> memref<1x32x1024xf32, #tpu.memory_space<vmem>>
    %dma_start3A_191 = tpu.memref_squeeze %dma_start3A_190 : memref<1x32x1024xf32, #tpu.memory_space<vmem>> -> memref<32x1024xf32, #tpu.memory_space<vmem>>
    tpu.enqueue_dma source(%dma_start3A_191 : memref<32x1024xf32, #tpu.memory_space<vmem>>) target(%dma_start3A_187 : memref<32x1024xf32, #tpu.memory_space<hbm>>) target_semaphore(%arg12 : memref<!tpu.dma_semaphore, #tpu.memory_space<semaphore_mem>>)
    %dma_wait3A_192 = arith.constant 2 : i32
    %dma_wait3A_193 = arith.constant 0 : i32
    %dma_wait3A_194 = arith.constant 0 : i32
    %dma_wait3A_195 = tpu.memref_slice %arg6[%dma_wait3A_192, %dma_wait3A_193, %dma_wait3A_194] : memref<3x32x1024xf32, #tpu.memory_space<vmem>> -> memref<1x32x1024xf32, #tpu.memory_space<vmem>>
    %dma_wait3A_196 = tpu.memref_squeeze %dma_wait3A_195 : memref<1x32x1024xf32, #tpu.memory_space<vmem>> -> memref<32x1024xf32, #tpu.memory_space<vmem>>
    %dma_wait3A_197 = arith.constant 0 : i32
    %dma_wait3A_198 = tpu.memref_slice %arg4[%select_n3A, %add3A_176, %dma_wait3A_197] : memref<4x4096x1024xf32, #tpu.memory_space<hbm>> -> memref<1x32x1024xf32, #tpu.memory_space<hbm>>
    %dma_wait3A_199 = tpu.memref_squeeze %dma_wait3A_198 : memref<1x32x1024xf32, #tpu.memory_space<hbm>> -> memref<32x1024xf32, #tpu.memory_space<hbm>>
    %dma_wait3A_200 = arith.constant 0 : i32
    %dma_wait3A_201 = tpu.memref_slice %arg4[%select_n3A, %add3A_176, %dma_wait3A_200] : memref<4x4096x1024xf32, #tpu.memory_space<hbm>> -> memref<1x32x1024xf32, #tpu.memory_space<hbm>>
    %dma_wait3A_202 = tpu.memref_squeeze %dma_wait3A_201 : memref<1x32x1024xf32, #tpu.memory_space<hbm>> -> memref<32x1024xf32, #tpu.memory_space<hbm>>
    %dma_wait3A_203 = arith.constant 0 : i32
    %dma_wait3A_204 = arith.constant 0 : i32
    %dma_wait3A_205 = tpu.memref_slice %arg6[%dma_wait3A_192, %dma_wait3A_203, %dma_wait3A_204] : memref<3x32x1024xf32, #tpu.memory_space<vmem>> -> memref<1x32x1024xf32, #tpu.memory_space<vmem>>
    %dma_wait3A_206 = tpu.memref_squeeze %dma_wait3A_205 : memref<1x32x1024xf32, #tpu.memory_space<vmem>> -> memref<32x1024xf32, #tpu.memory_space<vmem>>
    tpu.wait_dma2 semaphore(%arg12 : memref<!tpu.dma_semaphore, #tpu.memory_space<semaphore_mem>>) src(%dma_wait3A_206 : memref<32x1024xf32, #tpu.memory_space<vmem>>) dst(%dma_wait3A_202 : memref<32x1024xf32, #tpu.memory_space<hbm>>)
    %dma_start3A_207 = arith.constant 2 : i32
    %dma_start3A_208 = arith.constant 0 : i32
    %dma_start3A_209 = arith.constant 0 : i32
    %dma_start3A_210 = tpu.memref_slice %arg6[%dma_start3A_207, %dma_start3A_208, %dma_start3A_209] : memref<3x32x1024xf32, #tpu.memory_space<vmem>> -> memref<1x32x1024xf32, #tpu.memory_space<vmem>>
    %dma_start3A_211 = tpu.memref_squeeze %dma_start3A_210 : memref<1x32x1024xf32, #tpu.memory_space<vmem>> -> memref<32x1024xf32, #tpu.memory_space<vmem>>
    %dma_start3A_212 = arith.constant 160 : i32
    %dma_start3A_213 = tpu.memref_slice %arg5[%dma_start3A_212] : memref<512xi32, #tpu.memory_space<vmem>> -> memref<32xi32, #tpu.memory_space<vmem>>
    %dma_start3A_214 = arith.constant 0 : i32
    %dma_start3A_215 = arith.constant 0 : i32
    %dma_start3A_216 = tpu.memref_slice %arg3[%dma_start3A_214, %dma_start3A_215] : memref<8192x1024xf32, #tpu.memory_space<hbm>> -> memref<8192x1024xf32, #tpu.memory_space<hbm>>
    tpu.enqueue_indirect_dma source(%dma_start3A_216 : memref<8192x1024xf32, #tpu.memory_space<hbm>>) target(%dma_start3A_211 : memref<32x1024xf32, #tpu.memory_space<vmem>>) offsets(%dma_start3A_213 : memref<32xi32, #tpu.memory_space<vmem>>) semaphore(%arg9 : memref<!tpu.dma_semaphore, #tpu.memory_space<semaphore_mem>>)
    %dma_wait3A_217 = arith.constant 0 : i32
    %dma_wait3A_218 = arith.constant 0 : i32
    %dma_wait3A_219 = arith.constant 0 : i32
    %dma_wait3A_220 = tpu.memref_slice %arg6[%dma_wait3A_217, %dma_wait3A_218, %dma_wait3A_219] : memref<3x32x1024xf32, #tpu.memory_space<vmem>> -> memref<1x32x1024xf32, #tpu.memory_space<vmem>>
    %dma_wait3A_221 = tpu.memref_squeeze %dma_wait3A_220 : memref<1x32x1024xf32, #tpu.memory_space<vmem>> -> memref<32x1024xf32, #tpu.memory_space<vmem>>
    %dma_wait3A_222 = arith.constant 96 : i32
    %dma_wait3A_223 = tpu.memref_slice %arg5[%dma_wait3A_222] : memref<512xi32, #tpu.memory_space<vmem>> -> memref<32xi32, #tpu.memory_space<vmem>>
    %dma_wait3A_224 = arith.constant 0 : i32
    %dma_wait3A_225 = arith.constant 0 : i32
    %dma_wait3A_226 = tpu.memref_slice %arg3[%dma_wait3A_224, %dma_wait3A_225] : memref<8192x1024xf32, #tpu.memory_space<hbm>> -> memref<8192x1024xf32, #tpu.memory_space<hbm>>
    tpu.wait_indirect_dma semaphore(%arg7 : memref<!tpu.dma_semaphore, #tpu.memory_space<semaphore_mem>>) src(%dma_wait3A_226 : memref<8192x1024xf32, #tpu.memory_space<hbm>>) dst(%dma_wait3A_221 : memref<32x1024xf32, #tpu.memory_space<vmem>>)
    %add3A_227 = arith.constant 96 : i32
    %add3A_228 = arith.addi %mul3A_32, %add3A_227 : i32
    %dma_start3A_229 = arith.constant 0 : i32
    %dma_start3A_230 = arith.constant 0 : i32
    %dma_start3A_231 = arith.constant 0 : i32
    %dma_start3A_232 = tpu.memref_slice %arg6[%dma_start3A_229, %dma_start3A_230, %dma_start3A_231] : memref<3x32x1024xf32, #tpu.memory_space<vmem>> -> memref<1x32x1024xf32, #tpu.memory_space<vmem>>
    %dma_start3A_233 = tpu.memref_squeeze %dma_start3A_232 : memref<1x32x1024xf32, #tpu.memory_space<vmem>> -> memref<32x1024xf32, #tpu.memory_space<vmem>>
    %dma_start3A_234 = arith.constant 0 : i32
    %dma_start3A_235 = tpu.memref_slice %arg4[%select_n3A, %add3A_228, %dma_start3A_234] : memref<4x4096x1024xf32, #tpu.memory_space<hbm>> -> memref<1x32x1024xf32, #tpu.memory_space<hbm>>
    %dma_start3A_236 = tpu.memref_squeeze %dma_start3A_235 : memref<1x32x1024xf32, #tpu.memory_space<hbm>> -> memref<32x1024xf32, #tpu.memory_space<hbm>>
    %dma_start3A_237 = arith.constant 0 : i32
    %dma_start3A_238 = tpu.memref_slice %arg4[%select_n3A, %add3A_228, %dma_start3A_237] : memref<4x4096x1024xf32, #tpu.memory_space<hbm>> -> memref<1x32x1024xf32, #tpu.memory_space<hbm>>
    %dma_start3A_239 = tpu.memref_squeeze %dma_start3A_238 : memref<1x32x1024xf32, #tpu.memory_space<hbm>> -> memref<32x1024xf32, #tpu.memory_space<hbm>>
    %dma_start3A_240 = arith.constant 0 : i32
    %dma_start3A_241 = arith.constant 0 : i32
    %dma_start3A_242 = tpu.memref_slice %arg6[%dma_start3A_229, %dma_start3A_240, %dma_start3A_241] : memref<3x32x1024xf32, #tpu.memory_space<vmem>> -> memref<1x32x1024xf32, #tpu.memory_space<vmem>>
    %dma_start3A_243 = tpu.memref_squeeze %dma_start3A_242 : memref<1x32x1024xf32, #tpu.memory_space<vmem>> -> memref<32x1024xf32, #tpu.memory_space<vmem>>
    tpu.enqueue_dma source(%dma_start3A_243 : memref<32x1024xf32, #tpu.memory_space<vmem>>) target(%dma_start3A_239 : memref<32x1024xf32, #tpu.memory_space<hbm>>) target_semaphore(%arg10 : memref<!tpu.dma_semaphore, #tpu.memory_space<semaphore_mem>>)
    %dma_wait3A_244 = arith.constant 0 : i32
    %dma_wait3A_245 = arith.constant 0 : i32
    %dma_wait3A_246 = arith.constant 0 : i32
    %dma_wait3A_247 = tpu.memref_slice %arg6[%dma_wait3A_244, %dma_wait3A_245, %dma_wait3A_246] : memref<3x32x1024xf32, #tpu.memory_space<vmem>> -> memref<1x32x1024xf32, #tpu.memory_space<vmem>>
    %dma_wait3A_248 = tpu.memref_squeeze %dma_wait3A_247 : memref<1x32x1024xf32, #tpu.memory_space<vmem>> -> memref<32x1024xf32, #tpu.memory_space<vmem>>
    %dma_wait3A_249 = arith.constant 0 : i32
    %dma_wait3A_250 = tpu.memref_slice %arg4[%select_n3A, %add3A_228, %dma_wait3A_249] : memref<4x4096x1024xf32, #tpu.memory_space<hbm>> -> memref<1x32x1024xf32, #tpu.memory_space<hbm>>
    %dma_wait3A_251 = tpu.memref_squeeze %dma_wait3A_250 : memref<1x32x1024xf32, #tpu.memory_space<hbm>> -> memref<32x1024xf32, #tpu.memory_space<hbm>>
    %dma_wait3A_252 = arith.constant 0 : i32
    %dma_wait3A_253 = tpu.memref_slice %arg4[%select_n3A, %add3A_228, %dma_wait3A_252] : memref<4x4096x1024xf32, #tpu.memory_space<hbm>> -> memref<1x32x1024xf32, #tpu.memory_space<hbm>>
    %dma_wait3A_254 = tpu.memref_squeeze %dma_wait3A_253 : memref<1x32x1024xf32, #tpu.memory_space<hbm>> -> memref<32x1024xf32, #tpu.memory_space<hbm>>
    %dma_wait3A_255 = arith.constant 0 : i32
    %dma_wait3A_256 = arith.constant 0 : i32
    %dma_wait3A_257 = tpu.memref_slice %arg6[%dma_wait3A_244, %dma_wait3A_255, %dma_wait3A_256] : memref<3x32x1024xf32, #tpu.memory_space<vmem>> -> memref<1x32x1024xf32, #tpu.memory_space<vmem>>
    %dma_wait3A_258 = tpu.memref_squeeze %dma_wait3A_257 : memref<1x32x1024xf32, #tpu.memory_space<vmem>> -> memref<32x1024xf32, #tpu.memory_space<vmem>>
    tpu.wait_dma2 semaphore(%arg10 : memref<!tpu.dma_semaphore, #tpu.memory_space<semaphore_mem>>) src(%dma_wait3A_258 : memref<32x1024xf32, #tpu.memory_space<vmem>>) dst(%dma_wait3A_254 : memref<32x1024xf32, #tpu.memory_space<hbm>>)
    %dma_start3A_259 = arith.constant 0 : i32
    %dma_start3A_260 = arith.constant 0 : i32
    %dma_start3A_261 = arith.constant 0 : i32
    %dma_start3A_262 = tpu.memref_slice %arg6[%dma_start3A_259, %dma_start3A_260, %dma_start3A_261] : memref<3x32x1024xf32, #tpu.memory_space<vmem>> -> memref<1x32x1024xf32, #tpu.memory_space<vmem>>
    %dma_start3A_263 = tpu.memref_squeeze %dma_start3A_262 : memref<1x32x1024xf32, #tpu.memory_space<vmem>> -> memref<32x1024xf32, #tpu.memory_space<vmem>>
    %dma_start3A_264 = arith.constant 192 : i32
    %dma_start3A_265 = tpu.memref_slice %arg5[%dma_start3A_264] : memref<512xi32, #tpu.memory_space<vmem>> -> memref<32xi32, #tpu.memory_space<vmem>>
    %dma_start3A_266 = arith.constant 0 : i32
    %dma_start3A_267 = arith.constant 0 : i32
    %dma_start3A_268 = tpu.memref_slice %arg3[%dma_start3A_266, %dma_start3A_267] : memref<8192x1024xf32, #tpu.memory_space<hbm>> -> memref<8192x1024xf32, #tpu.memory_space<hbm>>
    tpu.enqueue_indirect_dma source(%dma_start3A_268 : memref<8192x1024xf32, #tpu.memory_space<hbm>>) target(%dma_start3A_263 : memref<32x1024xf32, #tpu.memory_space<vmem>>) offsets(%dma_start3A_265 : memref<32xi32, #tpu.memory_space<vmem>>) semaphore(%arg7 : memref<!tpu.dma_semaphore, #tpu.memory_space<semaphore_mem>>)
    %dma_wait3A_269 = arith.constant 1 : i32
    %dma_wait3A_270 = arith.constant 0 : i32
    %dma_wait3A_271 = arith.constant 0 : i32
    %dma_wait3A_272 = tpu.memref_slice %arg6[%dma_wait3A_269, %dma_wait3A_270, %dma_wait3A_271] : memref<3x32x1024xf32, #tpu.memory_space<vmem>> -> memref<1x32x1024xf32, #tpu.memory_space<vmem>>
    %dma_wait3A_273 = tpu.memref_squeeze %dma_wait3A_272 : memref<1x32x1024xf32, #tpu.memory_space<vmem>> -> memref<32x1024xf32, #tpu.memory_space<vmem>>
    %dma_wait3A_274 = arith.constant 128 : i32
    %dma_wait3A_275 = tpu.memref_slice %arg5[%dma_wait3A_274] : memref<512xi32, #tpu.memory_space<vmem>> -> memref<32xi32, #tpu.memory_space<vmem>>
    %dma_wait3A_276 = arith.constant 0 : i32
    %dma_wait3A_277 = arith.constant 0 : i32
    %dma_wait3A_278 = tpu.memref_slice %arg3[%dma_wait3A_276, %dma_wait3A_277] : memref<8192x1024xf32, #tpu.memory_space<hbm>> -> memref<8192x1024xf32, #tpu.memory_space<hbm>>
    tpu.wait_indirect_dma semaphore(%arg8 : memref<!tpu.dma_semaphore, #tpu.memory_space<semaphore_mem>>) src(%dma_wait3A_278 : memref<8192x1024xf32, #tpu.memory_space<hbm>>) dst(%dma_wait3A_273 : memref<32x1024xf32, #tpu.memory_space<vmem>>)
    %add3A_279 = arith.constant 128 : i32
    %add3A_280 = arith.addi %mul3A_32, %add3A_279 : i32
    %dma_start3A_281 = arith.constant 1 : i32
    %dma_start3A_282 = arith.constant 0 : i32
    %dma_start3A_283 = arith.constant 0 : i32
    %dma_start3A_284 = tpu.memref_slice %arg6[%dma_start3A_281, %dma_start3A_282, %dma_start3A_283] : memref<3x32x1024xf32, #tpu.memory_space<vmem>> -> memref<1x32x1024xf32, #tpu.memory_space<vmem>>
    %dma_start3A_285 = tpu.memref_squeeze %dma_start3A_284 : memref<1x32x1024xf32, #tpu.memory_space<vmem>> -> memref<32x1024xf32, #tpu.memory_space<vmem>>
    %dma_start3A_286 = arith.constant 0 : i32
    %dma_start3A_287 = tpu.memref_slice %arg4[%select_n3A, %add3A_280, %dma_start3A_286] : memref<4x4096x1024xf32, #tpu.memory_space<hbm>> -> memref<1x32x1024xf32, #tpu.memory_space<hbm>>
    %dma_start3A_288 = tpu.memref_squeeze %dma_start3A_287 : memref<1x32x1024xf32, #tpu.memory_space<hbm>> -> memref<32x1024xf32, #tpu.memory_space<hbm>>
    %dma_start3A_289 = arith.constant 0 : i32
    %dma_start3A_290 = tpu.memref_slice %arg4[%select_n3A, %add3A_280, %dma_start3A_289] : memref<4x4096x1024xf32, #tpu.memory_space<hbm>> -> memref<1x32x1024xf32, #tpu.memory_space<hbm>>
    %dma_start3A_291 = tpu.memref_squeeze %dma_start3A_290 : memref<1x32x1024xf32, #tpu.memory_space<hbm>> -> memref<32x1024xf32, #tpu.memory_space<hbm>>
    %dma_start3A_292 = arith.constant 0 : i32
    %dma_start3A_293 = arith.constant 0 : i32
    %dma_start3A_294 = tpu.memref_slice %arg6[%dma_start3A_281, %dma_start3A_292, %dma_start3A_293] : memref<3x32x1024xf32, #tpu.memory_space<vmem>> -> memref<1x32x1024xf32, #tpu.memory_space<vmem>>
    %dma_start3A_295 = tpu.memref_squeeze %dma_start3A_294 : memref<1x32x1024xf32, #tpu.memory_space<vmem>> -> memref<32x1024xf32, #tpu.memory_space<vmem>>
    tpu.enqueue_dma source(%dma_start3A_295 : memref<32x1024xf32, #tpu.memory_space<vmem>>) target(%dma_start3A_291 : memref<32x1024xf32, #tpu.memory_space<hbm>>) target_semaphore(%arg11 : memref<!tpu.dma_semaphore, #tpu.memory_space<semaphore_mem>>)
    %dma_wait3A_296 = arith.constant 1 : i32
    %dma_wait3A_297 = arith.constant 0 : i32
    %dma_wait3A_298 = arith.constant 0 : i32
    %dma_wait3A_299 = tpu.memref_slice %arg6[%dma_wait3A_296, %dma_wait3A_297, %dma_wait3A_298] : memref<3x32x1024xf32, #tpu.memory_space<vmem>> -> memref<1x32x1024xf32, #tpu.memory_space<vmem>>
    %dma_wait3A_300 = tpu.memref_squeeze %dma_wait3A_299 : memref<1x32x1024xf32, #tpu.memory_space<vmem>> -> memref<32x1024xf32, #tpu.memory_space<vmem>>
    %dma_wait3A_301 = arith.constant 0 : i32
    %dma_wait3A_302 = tpu.memref_slice %arg4[%select_n3A, %add3A_280, %dma_wait3A_301] : memref<4x4096x1024xf32, #tpu.memory_space<hbm>> -> memref<1x32x1024xf32, #tpu.memory_space<hbm>>
    %dma_wait3A_303 = tpu.memref_squeeze %dma_wait3A_302 : memref<1x32x1024xf32, #tpu.memory_space<hbm>> -> memref<32x1024xf32, #tpu.memory_space<hbm>>
    %dma_wait3A_304 = arith.constant 0 : i32
    %dma_wait3A_305 = tpu.memref_slice %arg4[%select_n3A, %add3A_280, %dma_wait3A_304] : memref<4x4096x1024xf32, #tpu.memory_space<hbm>> -> memref<1x32x1024xf32, #tpu.memory_space<hbm>>
    %dma_wait3A_306 = tpu.memref_squeeze %dma_wait3A_305 : memref<1x32x1024xf32, #tpu.memory_space<hbm>> -> memref<32x1024xf32, #tpu.memory_space<hbm>>
    %dma_wait3A_307 = arith.constant 0 : i32
    %dma_wait3A_308 = arith.constant 0 : i32
    %dma_wait3A_309 = tpu.memref_slice %arg6[%dma_wait3A_296, %dma_wait3A_307, %dma_wait3A_308] : memref<3x32x1024xf32, #tpu.memory_space<vmem>> -> memref<1x32x1024xf32, #tpu.memory_space<vmem>>
    %dma_wait3A_310 = tpu.memref_squeeze %dma_wait3A_309 : memref<1x32x1024xf32, #tpu.memory_space<vmem>> -> memref<32x1024xf32, #tpu.memory_space<vmem>>
    tpu.wait_dma2 semaphore(%arg11 : memref<!tpu.dma_semaphore, #tpu.memory_space<semaphore_mem>>) src(%dma_wait3A_310 : memref<32x1024xf32, #tpu.memory_space<vmem>>) dst(%dma_wait3A_306 : memref<32x1024xf32, #tpu.memory_space<hbm>>)
    %dma_start3A_311 = arith.constant 1 : i32
    %dma_start3A_312 = arith.constant 0 : i32
    %dma_start3A_313 = arith.constant 0 : i32
    %dma_start3A_314 = tpu.memref_slice %arg6[%dma_start3A_311, %dma_start3A_312, %dma_start3A_313] : memref<3x32x1024xf32, #tpu.memory_space<vmem>> -> memref<1x32x1024xf32, #tpu.memory_space<vmem>>
    %dma_start3A_315 = tpu.memref_squeeze %dma_start3A_314 : memref<1x32x1024xf32, #tpu.memory_space<vmem>> -> memref<32x1024xf32, #tpu.memory_space<vmem>>
    %dma_start3A_316 = arith.constant 224 : i32
    %dma_start3A_317 = tpu.memref_slice %arg5[%dma_start3A_316] : memref<512xi32, #tpu.memory_space<vmem>> -> memref<32xi32, #tpu.memory_space<vmem>>
    %dma_start3A_318 = arith.constant 0 : i32
    %dma_start3A_319 = arith.constant 0 : i32
    %dma_start3A_320 = tpu.memref_slice %arg3[%dma_start3A_318, %dma_start3A_319] : memref<8192x1024xf32, #tpu.memory_space<hbm>> -> memref<8192x1024xf32, #tpu.memory_space<hbm>>
    tpu.enqueue_indirect_dma source(%dma_start3A_320 : memref<8192x1024xf32, #tpu.memory_space<hbm>>) target(%dma_start3A_315 : memref<32x1024xf32, #tpu.memory_space<vmem>>) offsets(%dma_start3A_317 : memref<32xi32, #tpu.memory_space<vmem>>) semaphore(%arg8 : memref<!tpu.dma_semaphore, #tpu.memory_space<semaphore_mem>>)
    %dma_wait3A_321 = arith.constant 2 : i32
    %dma_wait3A_322 = arith.constant 0 : i32
    %dma_wait3A_323 = arith.constant 0 : i32
    %dma_wait3A_324 = tpu.memref_slice %arg6[%dma_wait3A_321, %dma_wait3A_322, %dma_wait3A_323] : memref<3x32x1024xf32, #tpu.memory_space<vmem>> -> memref<1x32x1024xf32, #tpu.memory_space<vmem>>
    %dma_wait3A_325 = tpu.memref_squeeze %dma_wait3A_324 : memref<1x32x1024xf32, #tpu.memory_space<vmem>> -> memref<32x1024xf32, #tpu.memory_space<vmem>>
    %dma_wait3A_326 = arith.constant 160 : i32
    %dma_wait3A_327 = tpu.memref_slice %arg5[%dma_wait3A_326] : memref<512xi32, #tpu.memory_space<vmem>> -> memref<32xi32, #tpu.memory_space<vmem>>
    %dma_wait3A_328 = arith.constant 0 : i32
    %dma_wait3A_329 = arith.constant 0 : i32
    %dma_wait3A_330 = tpu.memref_slice %arg3[%dma_wait3A_328, %dma_wait3A_329] : memref<8192x1024xf32, #tpu.memory_space<hbm>> -> memref<8192x1024xf32, #tpu.memory_space<hbm>>
    tpu.wait_indirect_dma semaphore(%arg9 : memref<!tpu.dma_semaphore, #tpu.memory_space<semaphore_mem>>) src(%dma_wait3A_330 : memref<8192x1024xf32, #tpu.memory_space<hbm>>) dst(%dma_wait3A_325 : memref<32x1024xf32, #tpu.memory_space<vmem>>)
    %add3A_331 = arith.constant 160 : i32
    %add3A_332 = arith.addi %mul3A_32, %add3A_331 : i32
    %dma_start3A_333 = arith.constant 2 : i32
    %dma_start3A_334 = arith.constant 0 : i32
    %dma_start3A_335 = arith.constant 0 : i32
    %dma_start3A_336 = tpu.memref_slice %arg6[%dma_start3A_333, %dma_start3A_334, %dma_start3A_335] : memref<3x32x1024xf32, #tpu.memory_space<vmem>> -> memref<1x32x1024xf32, #tpu.memory_space<vmem>>
    %dma_start3A_337 = tpu.memref_squeeze %dma_start3A_336 : memref<1x32x1024xf32, #tpu.memory_space<vmem>> -> memref<32x1024xf32, #tpu.memory_space<vmem>>
    %dma_start3A_338 = arith.constant 0 : i32
    %dma_start3A_339 = tpu.memref_slice %arg4[%select_n3A, %add3A_332, %dma_start3A_338] : memref<4x4096x1024xf32, #tpu.memory_space<hbm>> -> memref<1x32x1024xf32, #tpu.memory_space<hbm>>
    %dma_start3A_340 = tpu.memref_squeeze %dma_start3A_339 : memref<1x32x1024xf32, #tpu.memory_space<hbm>> -> memref<32x1024xf32, #tpu.memory_space<hbm>>
    %dma_start3A_341 = arith.constant 0 : i32
    %dma_start3A_342 = tpu.memref_slice %arg4[%select_n3A, %add3A_332, %dma_start3A_341] : memref<4x4096x1024xf32, #tpu.memory_space<hbm>> -> memref<1x32x1024xf32, #tpu.memory_space<hbm>>
    %dma_start3A_343 = tpu.memref_squeeze %dma_start3A_342 : memref<1x32x1024xf32, #tpu.memory_space<hbm>> -> memref<32x1024xf32, #tpu.memory_space<hbm>>
    %dma_start3A_344 = arith.constant 0 : i32
    %dma_start3A_345 = arith.constant 0 : i32
    %dma_start3A_346 = tpu.memref_slice %arg6[%dma_start3A_333, %dma_start3A_344, %dma_start3A_345] : memref<3x32x1024xf32, #tpu.memory_space<vmem>> -> memref<1x32x1024xf32, #tpu.memory_space<vmem>>
    %dma_start3A_347 = tpu.memref_squeeze %dma_start3A_346 : memref<1x32x1024xf32, #tpu.memory_space<vmem>> -> memref<32x1024xf32, #tpu.memory_space<vmem>>
    tpu.enqueue_dma source(%dma_start3A_347 : memref<32x1024xf32, #tpu.memory_space<vmem>>) target(%dma_start3A_343 : memref<32x1024xf32, #tpu.memory_space<hbm>>) target_semaphore(%arg12 : memref<!tpu.dma_semaphore, #tpu.memory_space<semaphore_mem>>)
    %dma_wait3A_348 = arith.constant 2 : i32
    %dma_wait3A_349 = arith.constant 0 : i32
    %dma_wait3A_350 = arith.constant 0 : i32
    %dma_wait3A_351 = tpu.memref_slice %arg6[%dma_wait3A_348, %dma_wait3A_349, %dma_wait3A_350] : memref<3x32x1024xf32, #tpu.memory_space<vmem>> -> memref<1x32x1024xf32, #tpu.memory_space<vmem>>
    %dma_wait3A_352 = tpu.memref_squeeze %dma_wait3A_351 : memref<1x32x1024xf32, #tpu.memory_space<vmem>> -> memref<32x1024xf32, #tpu.memory_space<vmem>>
    %dma_wait3A_353 = arith.constant 0 : i32
    %dma_wait3A_354 = tpu.memref_slice %arg4[%select_n3A, %add3A_332, %dma_wait3A_353] : memref<4x4096x1024xf32, #tpu.memory_space<hbm>> -> memref<1x32x1024xf32, #tpu.memory_space<hbm>>
    %dma_wait3A_355 = tpu.memref_squeeze %dma_wait3A_354 : memref<1x32x1024xf32, #tpu.memory_space<hbm>> -> memref<32x1024xf32, #tpu.memory_space<hbm>>
    %dma_wait3A_356 = arith.constant 0 : i32
    %dma_wait3A_357 = tpu.memref_slice %arg4[%select_n3A, %add3A_332, %dma_wait3A_356] : memref<4x4096x1024xf32, #tpu.memory_space<hbm>> -> memref<1x32x1024xf32, #tpu.memory_space<hbm>>
    %dma_wait3A_358 = tpu.memref_squeeze %dma_wait3A_357 : memref<1x32x1024xf32, #tpu.memory_space<hbm>> -> memref<32x1024xf32, #tpu.memory_space<hbm>>
    %dma_wait3A_359 = arith.constant 0 : i32
    %dma_wait3A_360 = arith.constant 0 : i32
    %dma_wait3A_361 = tpu.memref_slice %arg6[%dma_wait3A_348, %dma_wait3A_359, %dma_wait3A_360] : memref<3x32x1024xf32, #tpu.memory_space<vmem>> -> memref<1x32x1024xf32, #tpu.memory_space<vmem>>
    %dma_wait3A_362 = tpu.memref_squeeze %dma_wait3A_361 : memref<1x32x1024xf32, #tpu.memory_space<vmem>> -> memref<32x1024xf32, #tpu.memory_space<vmem>>
    tpu.wait_dma2 semaphore(%arg12 : memref<!tpu.dma_semaphore, #tpu.memory_space<semaphore_mem>>) src(%dma_wait3A_362 : memref<32x1024xf32, #tpu.memory_space<vmem>>) dst(%dma_wait3A_358 : memref<32x1024xf32, #tpu.memory_space<hbm>>)
    %dma_start3A_363 = arith.constant 2 : i32
    %dma_start3A_364 = arith.constant 0 : i32
    %dma_start3A_365 = arith.constant 0 : i32
    %dma_start3A_366 = tpu.memref_slice %arg6[%dma_start3A_363, %dma_start3A_364, %dma_start3A_365] : memref<3x32x1024xf32, #tpu.memory_space<vmem>> -> memref<1x32x1024xf32, #tpu.memory_space<vmem>>
    %dma_start3A_367 = tpu.memref_squeeze %dma_start3A_366 : memref<1x32x1024xf32, #tpu.memory_space<vmem>> -> memref<32x1024xf32, #tpu.memory_space<vmem>>
    %dma_start3A_368 = arith.constant 256 : i32
    %dma_start3A_369 = tpu.memref_slice %arg5[%dma_start3A_368] : memref<512xi32, #tpu.memory_space<vmem>> -> memref<32xi32, #tpu.memory_space<vmem>>
    %dma_start3A_370 = arith.constant 0 : i32
    %dma_start3A_371 = arith.constant 0 : i32
    %dma_start3A_372 = tpu.memref_slice %arg3[%dma_start3A_370, %dma_start3A_371] : memref<8192x1024xf32, #tpu.memory_space<hbm>> -> memref<8192x1024xf32, #tpu.memory_space<hbm>>
    tpu.enqueue_indirect_dma source(%dma_start3A_372 : memref<8192x1024xf32, #tpu.memory_space<hbm>>) target(%dma_start3A_367 : memref<32x1024xf32, #tpu.memory_space<vmem>>) offsets(%dma_start3A_369 : memref<32xi32, #tpu.memory_space<vmem>>) semaphore(%arg9 : memref<!tpu.dma_semaphore, #tpu.memory_space<semaphore_mem>>)
    %dma_wait3A_373 = arith.constant 0 : i32
    %dma_wait3A_374 = arith.constant 0 : i32
    %dma_wait3A_375 = arith.constant 0 : i32
    %dma_wait3A_376 = tpu.memref_slice %arg6[%dma_wait3A_373, %dma_wait3A_374, %dma_wait3A_375] : memref<3x32x1024xf32, #tpu.memory_space<vmem>> -> memref<1x32x1024xf32, #tpu.memory_space<vmem>>
    %dma_wait3A_377 = tpu.memref_squeeze %dma_wait3A_376 : memref<1x32x1024xf32, #tpu.memory_space<vmem>> -> memref<32x1024xf32, #tpu.memory_space<vmem>>
    %dma_wait3A_378 = arith.constant 192 : i32
    %dma_wait3A_379 = tpu.memref_slice %arg5[%dma_wait3A_378] : memref<512xi32, #tpu.memory_space<vmem>> -> memref<32xi32, #tpu.memory_space<vmem>>
    %dma_wait3A_380 = arith.constant 0 : i32
    %dma_wait3A_381 = arith.constant 0 : i32
    %dma_wait3A_382 = tpu.memref_slice %arg3[%dma_wait3A_380, %dma_wait3A_381] : memref<8192x1024xf32, #tpu.memory_space<hbm>> -> memref<8192x1024xf32, #tpu.memory_space<hbm>>
    tpu.wait_indirect_dma semaphore(%arg7 : memref<!tpu.dma_semaphore, #tpu.memory_space<semaphore_mem>>) src(%dma_wait3A_382 : memref<8192x1024xf32, #tpu.memory_space<hbm>>) dst(%dma_wait3A_377 : memref<32x1024xf32, #tpu.memory_space<vmem>>)
    %add3A_383 = arith.constant 192 : i32
    %add3A_384 = arith.addi %mul3A_32, %add3A_383 : i32
    %dma_start3A_385 = arith.constant 0 : i32
    %dma_start3A_386 = arith.constant 0 : i32
    %dma_start3A_387 = arith.constant 0 : i32
    %dma_start3A_388 = tpu.memref_slice %arg6[%dma_start3A_385, %dma_start3A_386, %dma_start3A_387] : memref<3x32x1024xf32, #tpu.memory_space<vmem>> -> memref<1x32x1024xf32, #tpu.memory_space<vmem>>
    %dma_start3A_389 = tpu.memref_squeeze %dma_start3A_388 : memref<1x32x1024xf32, #tpu.memory_space<vmem>> -> memref<32x1024xf32, #tpu.memory_space<vmem>>
    %dma_start3A_390 = arith.constant 0 : i32
    %dma_start3A_391 = tpu.memref_slice %arg4[%select_n3A, %add3A_384, %dma_start3A_390] : memref<4x4096x1024xf32, #tpu.memory_space<hbm>> -> memref<1x32x1024xf32, #tpu.memory_space<hbm>>
    %dma_start3A_392 = tpu.memref_squeeze %dma_start3A_391 : memref<1x32x1024xf32, #tpu.memory_space<hbm>> -> memref<32x1024xf32, #tpu.memory_space<hbm>>
    %dma_start3A_393 = arith.constant 0 : i32
    %dma_start3A_394 = tpu.memref_slice %arg4[%select_n3A, %add3A_384, %dma_start3A_393] : memref<4x4096x1024xf32, #tpu.memory_space<hbm>> -> memref<1x32x1024xf32, #tpu.memory_space<hbm>>
    %dma_start3A_395 = tpu.memref_squeeze %dma_start3A_394 : memref<1x32x1024xf32, #tpu.memory_space<hbm>> -> memref<32x1024xf32, #tpu.memory_space<hbm>>
    %dma_start3A_396 = arith.constant 0 : i32
    %dma_start3A_397 = arith.constant 0 : i32
    %dma_start3A_398 = tpu.memref_slice %arg6[%dma_start3A_385, %dma_start3A_396, %dma_start3A_397] : memref<3x32x1024xf32, #tpu.memory_space<vmem>> -> memref<1x32x1024xf32, #tpu.memory_space<vmem>>
    %dma_start3A_399 = tpu.memref_squeeze %dma_start3A_398 : memref<1x32x1024xf32, #tpu.memory_space<vmem>> -> memref<32x1024xf32, #tpu.memory_space<vmem>>
    tpu.enqueue_dma source(%dma_start3A_399 : memref<32x1024xf32, #tpu.memory_space<vmem>>) target(%dma_start3A_395 : memref<32x1024xf32, #tpu.memory_space<hbm>>) target_semaphore(%arg10 : memref<!tpu.dma_semaphore, #tpu.memory_space<semaphore_mem>>)
    %dma_wait3A_400 = arith.constant 0 : i32
    %dma_wait3A_401 = arith.constant 0 : i32
    %dma_wait3A_402 = arith.constant 0 : i32
    %dma_wait3A_403 = tpu.memref_slice %arg6[%dma_wait3A_400, %dma_wait3A_401, %dma_wait3A_402] : memref<3x32x1024xf32, #tpu.memory_space<vmem>> -> memref<1x32x1024xf32, #tpu.memory_space<vmem>>
    %dma_wait3A_404 = tpu.memref_squeeze %dma_wait3A_403 : memref<1x32x1024xf32, #tpu.memory_space<vmem>> -> memref<32x1024xf32, #tpu.memory_space<vmem>>
    %dma_wait3A_405 = arith.constant 0 : i32
    %dma_wait3A_406 = tpu.memref_slice %arg4[%select_n3A, %add3A_384, %dma_wait3A_405] : memref<4x4096x1024xf32, #tpu.memory_space<hbm>> -> memref<1x32x1024xf32, #tpu.memory_space<hbm>>
    %dma_wait3A_407 = tpu.memref_squeeze %dma_wait3A_406 : memref<1x32x1024xf32, #tpu.memory_space<hbm>> -> memref<32x1024xf32, #tpu.memory_space<hbm>>
    %dma_wait3A_408 = arith.constant 0 : i32
    %dma_wait3A_409 = tpu.memref_slice %arg4[%select_n3A, %add3A_384, %dma_wait3A_408] : memref<4x4096x1024xf32, #tpu.memory_space<hbm>> -> memref<1x32x1024xf32, #tpu.memory_space<hbm>>
    %dma_wait3A_410 = tpu.memref_squeeze %dma_wait3A_409 : memref<1x32x1024xf32, #tpu.memory_space<hbm>> -> memref<32x1024xf32, #tpu.memory_space<hbm>>
    %dma_wait3A_411 = arith.constant 0 : i32
    %dma_wait3A_412 = arith.constant 0 : i32
    %dma_wait3A_413 = tpu.memref_slice %arg6[%dma_wait3A_400, %dma_wait3A_411, %dma_wait3A_412] : memref<3x32x1024xf32, #tpu.memory_space<vmem>> -> memref<1x32x1024xf32, #tpu.memory_space<vmem>>
    %dma_wait3A_414 = tpu.memref_squeeze %dma_wait3A_413 : memref<1x32x1024xf32, #tpu.memory_space<vmem>> -> memref<32x1024xf32, #tpu.memory_space<vmem>>
    tpu.wait_dma2 semaphore(%arg10 : memref<!tpu.dma_semaphore, #tpu.memory_space<semaphore_mem>>) src(%dma_wait3A_414 : memref<32x1024xf32, #tpu.memory_space<vmem>>) dst(%dma_wait3A_410 : memref<32x1024xf32, #tpu.memory_space<hbm>>)
    %dma_start3A_415 = arith.constant 0 : i32
    %dma_start3A_416 = arith.constant 0 : i32
    %dma_start3A_417 = arith.constant 0 : i32
    %dma_start3A_418 = tpu.memref_slice %arg6[%dma_start3A_415, %dma_start3A_416, %dma_start3A_417] : memref<3x32x1024xf32, #tpu.memory_space<vmem>> -> memref<1x32x1024xf32, #tpu.memory_space<vmem>>
    %dma_start3A_419 = tpu.memref_squeeze %dma_start3A_418 : memref<1x32x1024xf32, #tpu.memory_space<vmem>> -> memref<32x1024xf32, #tpu.memory_space<vmem>>
    %dma_start3A_420 = arith.constant 288 : i32
    %dma_start3A_421 = tpu.memref_slice %arg5[%dma_start3A_420] : memref<512xi32, #tpu.memory_space<vmem>> -> memref<32xi32, #tpu.memory_space<vmem>>
    %dma_start3A_422 = arith.constant 0 : i32
    %dma_start3A_423 = arith.constant 0 : i32
    %dma_start3A_424 = tpu.memref_slice %arg3[%dma_start3A_422, %dma_start3A_423] : memref<8192x1024xf32, #tpu.memory_space<hbm>> -> memref<8192x1024xf32, #tpu.memory_space<hbm>>
    tpu.enqueue_indirect_dma source(%dma_start3A_424 : memref<8192x1024xf32, #tpu.memory_space<hbm>>) target(%dma_start3A_419 : memref<32x1024xf32, #tpu.memory_space<vmem>>) offsets(%dma_start3A_421 : memref<32xi32, #tpu.memory_space<vmem>>) semaphore(%arg7 : memref<!tpu.dma_semaphore, #tpu.memory_space<semaphore_mem>>)
    %dma_wait3A_425 = arith.constant 1 : i32
    %dma_wait3A_426 = arith.constant 0 : i32
    %dma_wait3A_427 = arith.constant 0 : i32
    %dma_wait3A_428 = tpu.memref_slice %arg6[%dma_wait3A_425, %dma_wait3A_426, %dma_wait3A_427] : memref<3x32x1024xf32, #tpu.memory_space<vmem>> -> memref<1x32x1024xf32, #tpu.memory_space<vmem>>
    %dma_wait3A_429 = tpu.memref_squeeze %dma_wait3A_428 : memref<1x32x1024xf32, #tpu.memory_space<vmem>> -> memref<32x1024xf32, #tpu.memory_space<vmem>>
    %dma_wait3A_430 = arith.constant 224 : i32
    %dma_wait3A_431 = tpu.memref_slice %arg5[%dma_wait3A_430] : memref<512xi32, #tpu.memory_space<vmem>> -> memref<32xi32, #tpu.memory_space<vmem>>
    %dma_wait3A_432 = arith.constant 0 : i32
    %dma_wait3A_433 = arith.constant 0 : i32
    %dma_wait3A_434 = tpu.memref_slice %arg3[%dma_wait3A_432, %dma_wait3A_433] : memref<8192x1024xf32, #tpu.memory_space<hbm>> -> memref<8192x1024xf32, #tpu.memory_space<hbm>>
    tpu.wait_indirect_dma semaphore(%arg8 : memref<!tpu.dma_semaphore, #tpu.memory_space<semaphore_mem>>) src(%dma_wait3A_434 : memref<8192x1024xf32, #tpu.memory_space<hbm>>) dst(%dma_wait3A_429 : memref<32x1024xf32, #tpu.memory_space<vmem>>)
    %add3A_435 = arith.constant 224 : i32
    %add3A_436 = arith.addi %mul3A_32, %add3A_435 : i32
    %dma_start3A_437 = arith.constant 1 : i32
    %dma_start3A_438 = arith.constant 0 : i32
    %dma_start3A_439 = arith.constant 0 : i32
    %dma_start3A_440 = tpu.memref_slice %arg6[%dma_start3A_437, %dma_start3A_438, %dma_start3A_439] : memref<3x32x1024xf32, #tpu.memory_space<vmem>> -> memref<1x32x1024xf32, #tpu.memory_space<vmem>>
    %dma_start3A_441 = tpu.memref_squeeze %dma_start3A_440 : memref<1x32x1024xf32, #tpu.memory_space<vmem>> -> memref<32x1024xf32, #tpu.memory_space<vmem>>
    %dma_start3A_442 = arith.constant 0 : i32
    %dma_start3A_443 = tpu.memref_slice %arg4[%select_n3A, %add3A_436, %dma_start3A_442] : memref<4x4096x1024xf32, #tpu.memory_space<hbm>> -> memref<1x32x1024xf32, #tpu.memory_space<hbm>>
    %dma_start3A_444 = tpu.memref_squeeze %dma_start3A_443 : memref<1x32x1024xf32, #tpu.memory_space<hbm>> -> memref<32x1024xf32, #tpu.memory_space<hbm>>
    %dma_start3A_445 = arith.constant 0 : i32
    %dma_start3A_446 = tpu.memref_slice %arg4[%select_n3A, %add3A_436, %dma_start3A_445] : memref<4x4096x1024xf32, #tpu.memory_space<hbm>> -> memref<1x32x1024xf32, #tpu.memory_space<hbm>>
    %dma_start3A_447 = tpu.memref_squeeze %dma_start3A_446 : memref<1x32x1024xf32, #tpu.memory_space<hbm>> -> memref<32x1024xf32, #tpu.memory_space<hbm>>
    %dma_start3A_448 = arith.constant 0 : i32
    %dma_start3A_449 = arith.constant 0 : i32
    %dma_start3A_450 = tpu.memref_slice %arg6[%dma_start3A_437, %dma_start3A_448, %dma_start3A_449] : memref<3x32x1024xf32, #tpu.memory_space<vmem>> -> memref<1x32x1024xf32, #tpu.memory_space<vmem>>
    %dma_start3A_451 = tpu.memref_squeeze %dma_start3A_450 : memref<1x32x1024xf32, #tpu.memory_space<vmem>> -> memref<32x1024xf32, #tpu.memory_space<vmem>>
    tpu.enqueue_dma source(%dma_start3A_451 : memref<32x1024xf32, #tpu.memory_space<vmem>>) target(%dma_start3A_447 : memref<32x1024xf32, #tpu.memory_space<hbm>>) target_semaphore(%arg11 : memref<!tpu.dma_semaphore, #tpu.memory_space<semaphore_mem>>)
    %dma_wait3A_452 = arith.constant 1 : i32
    %dma_wait3A_453 = arith.constant 0 : i32
    %dma_wait3A_454 = arith.constant 0 : i32
    %dma_wait3A_455 = tpu.memref_slice %arg6[%dma_wait3A_452, %dma_wait3A_453, %dma_wait3A_454] : memref<3x32x1024xf32, #tpu.memory_space<vmem>> -> memref<1x32x1024xf32, #tpu.memory_space<vmem>>
    %dma_wait3A_456 = tpu.memref_squeeze %dma_wait3A_455 : memref<1x32x1024xf32, #tpu.memory_space<vmem>> -> memref<32x1024xf32, #tpu.memory_space<vmem>>
    %dma_wait3A_457 = arith.constant 0 : i32
    %dma_wait3A_458 = tpu.memref_slice %arg4[%select_n3A, %add3A_436, %dma_wait3A_457] : memref<4x4096x1024xf32, #tpu.memory_space<hbm>> -> memref<1x32x1024xf32, #tpu.memory_space<hbm>>
    %dma_wait3A_459 = tpu.memref_squeeze %dma_wait3A_458 : memref<1x32x1024xf32, #tpu.memory_space<hbm>> -> memref<32x1024xf32, #tpu.memory_space<hbm>>
    %dma_wait3A_460 = arith.constant 0 : i32
    %dma_wait3A_461 = tpu.memref_slice %arg4[%select_n3A, %add3A_436, %dma_wait3A_460] : memref<4x4096x1024xf32, #tpu.memory_space<hbm>> -> memref<1x32x1024xf32, #tpu.memory_space<hbm>>
    %dma_wait3A_462 = tpu.memref_squeeze %dma_wait3A_461 : memref<1x32x1024xf32, #tpu.memory_space<hbm>> -> memref<32x1024xf32, #tpu.memory_space<hbm>>
    %dma_wait3A_463 = arith.constant 0 : i32
    %dma_wait3A_464 = arith.constant 0 : i32
    %dma_wait3A_465 = tpu.memref_slice %arg6[%dma_wait3A_452, %dma_wait3A_463, %dma_wait3A_464] : memref<3x32x1024xf32, #tpu.memory_space<vmem>> -> memref<1x32x1024xf32, #tpu.memory_space<vmem>>
    %dma_wait3A_466 = tpu.memref_squeeze %dma_wait3A_465 : memref<1x32x1024xf32, #tpu.memory_space<vmem>> -> memref<32x1024xf32, #tpu.memory_space<vmem>>
    tpu.wait_dma2 semaphore(%arg11 : memref<!tpu.dma_semaphore, #tpu.memory_space<semaphore_mem>>) src(%dma_wait3A_466 : memref<32x1024xf32, #tpu.memory_space<vmem>>) dst(%dma_wait3A_462 : memref<32x1024xf32, #tpu.memory_space<hbm>>)
    %dma_start3A_467 = arith.constant 1 : i32
    %dma_start3A_468 = arith.constant 0 : i32
    %dma_start3A_469 = arith.constant 0 : i32
    %dma_start3A_470 = tpu.memref_slice %arg6[%dma_start3A_467, %dma_start3A_468, %dma_start3A_469] : memref<3x32x1024xf32, #tpu.memory_space<vmem>> -> memref<1x32x1024xf32, #tpu.memory_space<vmem>>
    %dma_start3A_471 = tpu.memref_squeeze %dma_start3A_470 : memref<1x32x1024xf32, #tpu.memory_space<vmem>> -> memref<32x1024xf32, #tpu.memory_space<vmem>>
    %dma_start3A_472 = arith.constant 320 : i32
    %dma_start3A_473 = tpu.memref_slice %arg5[%dma_start3A_472] : memref<512xi32, #tpu.memory_space<vmem>> -> memref<32xi32, #tpu.memory_space<vmem>>
    %dma_start3A_474 = arith.constant 0 : i32
    %dma_start3A_475 = arith.constant 0 : i32
    %dma_start3A_476 = tpu.memref_slice %arg3[%dma_start3A_474, %dma_start3A_475] : memref<8192x1024xf32, #tpu.memory_space<hbm>> -> memref<8192x1024xf32, #tpu.memory_space<hbm>>
    tpu.enqueue_indirect_dma source(%dma_start3A_476 : memref<8192x1024xf32, #tpu.memory_space<hbm>>) target(%dma_start3A_471 : memref<32x1024xf32, #tpu.memory_space<vmem>>) offsets(%dma_start3A_473 : memref<32xi32, #tpu.memory_space<vmem>>) semaphore(%arg8 : memref<!tpu.dma_semaphore, #tpu.memory_space<semaphore_mem>>)
    %dma_wait3A_477 = arith.constant 2 : i32
    %dma_wait3A_478 = arith.constant 0 : i32
    %dma_wait3A_479 = arith.constant 0 : i32
    %dma_wait3A_480 = tpu.memref_slice %arg6[%dma_wait3A_477, %dma_wait3A_478, %dma_wait3A_479] : memref<3x32x1024xf32, #tpu.memory_space<vmem>> -> memref<1x32x1024xf32, #tpu.memory_space<vmem>>
    %dma_wait3A_481 = tpu.memref_squeeze %dma_wait3A_480 : memref<1x32x1024xf32, #tpu.memory_space<vmem>> -> memref<32x1024xf32, #tpu.memory_space<vmem>>
    %dma_wait3A_482 = arith.constant 256 : i32
    %dma_wait3A_483 = tpu.memref_slice %arg5[%dma_wait3A_482] : memref<512xi32, #tpu.memory_space<vmem>> -> memref<32xi32, #tpu.memory_space<vmem>>
    %dma_wait3A_484 = arith.constant 0 : i32
    %dma_wait3A_485 = arith.constant 0 : i32
    %dma_wait3A_486 = tpu.memref_slice %arg3[%dma_wait3A_484, %dma_wait3A_485] : memref<8192x1024xf32, #tpu.memory_space<hbm>> -> memref<8192x1024xf32, #tpu.memory_space<hbm>>
    tpu.wait_indirect_dma semaphore(%arg9 : memref<!tpu.dma_semaphore, #tpu.memory_space<semaphore_mem>>) src(%dma_wait3A_486 : memref<8192x1024xf32, #tpu.memory_space<hbm>>) dst(%dma_wait3A_481 : memref<32x1024xf32, #tpu.memory_space<vmem>>)
    %add3A_487 = arith.constant 256 : i32
    %add3A_488 = arith.addi %mul3A_32, %add3A_487 : i32
    %dma_start3A_489 = arith.constant 2 : i32
    %dma_start3A_490 = arith.constant 0 : i32
    %dma_start3A_491 = arith.constant 0 : i32
    %dma_start3A_492 = tpu.memref_slice %arg6[%dma_start3A_489, %dma_start3A_490, %dma_start3A_491] : memref<3x32x1024xf32, #tpu.memory_space<vmem>> -> memref<1x32x1024xf32, #tpu.memory_space<vmem>>
    %dma_start3A_493 = tpu.memref_squeeze %dma_start3A_492 : memref<1x32x1024xf32, #tpu.memory_space<vmem>> -> memref<32x1024xf32, #tpu.memory_space<vmem>>
    %dma_start3A_494 = arith.constant 0 : i32
    %dma_start3A_495 = tpu.memref_slice %arg4[%select_n3A, %add3A_488, %dma_start3A_494] : memref<4x4096x1024xf32, #tpu.memory_space<hbm>> -> memref<1x32x1024xf32, #tpu.memory_space<hbm>>
    %dma_start3A_496 = tpu.memref_squeeze %dma_start3A_495 : memref<1x32x1024xf32, #tpu.memory_space<hbm>> -> memref<32x1024xf32, #tpu.memory_space<hbm>>
    %dma_start3A_497 = arith.constant 0 : i32
    %dma_start3A_498 = tpu.memref_slice %arg4[%select_n3A, %add3A_488, %dma_start3A_497] : memref<4x4096x1024xf32, #tpu.memory_space<hbm>> -> memref<1x32x1024xf32, #tpu.memory_space<hbm>>
    %dma_start3A_499 = tpu.memref_squeeze %dma_start3A_498 : memref<1x32x1024xf32, #tpu.memory_space<hbm>> -> memref<32x1024xf32, #tpu.memory_space<hbm>>
    %dma_start3A_500 = arith.constant 0 : i32
    %dma_start3A_501 = arith.constant 0 : i32
    %dma_start3A_502 = tpu.memref_slice %arg6[%dma_start3A_489, %dma_start3A_500, %dma_start3A_501] : memref<3x32x1024xf32, #tpu.memory_space<vmem>> -> memref<1x32x1024xf32, #tpu.memory_space<vmem>>
    %dma_start3A_503 = tpu.memref_squeeze %dma_start3A_502 : memref<1x32x1024xf32, #tpu.memory_space<vmem>> -> memref<32x1024xf32, #tpu.memory_space<vmem>>
    tpu.enqueue_dma source(%dma_start3A_503 : memref<32x1024xf32, #tpu.memory_space<vmem>>) target(%dma_start3A_499 : memref<32x1024xf32, #tpu.memory_space<hbm>>) target_semaphore(%arg12 : memref<!tpu.dma_semaphore, #tpu.memory_space<semaphore_mem>>)
    %dma_wait3A_504 = arith.constant 2 : i32
    %dma_wait3A_505 = arith.constant 0 : i32
    %dma_wait3A_506 = arith.constant 0 : i32
    %dma_wait3A_507 = tpu.memref_slice %arg6[%dma_wait3A_504, %dma_wait3A_505, %dma_wait3A_506] : memref<3x32x1024xf32, #tpu.memory_space<vmem>> -> memref<1x32x1024xf32, #tpu.memory_space<vmem>>
    %dma_wait3A_508 = tpu.memref_squeeze %dma_wait3A_507 : memref<1x32x1024xf32, #tpu.memory_space<vmem>> -> memref<32x1024xf32, #tpu.memory_space<vmem>>
    %dma_wait3A_509 = arith.constant 0 : i32
    %dma_wait3A_510 = tpu.memref_slice %arg4[%select_n3A, %add3A_488, %dma_wait3A_509] : memref<4x4096x1024xf32, #tpu.memory_space<hbm>> -> memref<1x32x1024xf32, #tpu.memory_space<hbm>>
    %dma_wait3A_511 = tpu.memref_squeeze %dma_wait3A_510 : memref<1x32x1024xf32, #tpu.memory_space<hbm>> -> memref<32x1024xf32, #tpu.memory_space<hbm>>
    %dma_wait3A_512 = arith.constant 0 : i32
    %dma_wait3A_513 = tpu.memref_slice %arg4[%select_n3A, %add3A_488, %dma_wait3A_512] : memref<4x4096x1024xf32, #tpu.memory_space<hbm>> -> memref<1x32x1024xf32, #tpu.memory_space<hbm>>
    %dma_wait3A_514 = tpu.memref_squeeze %dma_wait3A_513 : memref<1x32x1024xf32, #tpu.memory_space<hbm>> -> memref<32x1024xf32, #tpu.memory_space<hbm>>
    %dma_wait3A_515 = arith.constant 0 : i32
    %dma_wait3A_516 = arith.constant 0 : i32
    %dma_wait3A_517 = tpu.memref_slice %arg6[%dma_wait3A_504, %dma_wait3A_515, %dma_wait3A_516] : memref<3x32x1024xf32, #tpu.memory_space<vmem>> -> memref<1x32x1024xf32, #tpu.memory_space<vmem>>
    %dma_wait3A_518 = tpu.memref_squeeze %dma_wait3A_517 : memref<1x32x1024xf32, #tpu.memory_space<vmem>> -> memref<32x1024xf32, #tpu.memory_space<vmem>>
    tpu.wait_dma2 semaphore(%arg12 : memref<!tpu.dma_semaphore, #tpu.memory_space<semaphore_mem>>) src(%dma_wait3A_518 : memref<32x1024xf32, #tpu.memory_space<vmem>>) dst(%dma_wait3A_514 : memref<32x1024xf32, #tpu.memory_space<hbm>>)
    %dma_start3A_519 = arith.constant 2 : i32
    %dma_start3A_520 = arith.constant 0 : i32
    %dma_start3A_521 = arith.constant 0 : i32
    %dma_start3A_522 = tpu.memref_slice %arg6[%dma_start3A_519, %dma_start3A_520, %dma_start3A_521] : memref<3x32x1024xf32, #tpu.memory_space<vmem>> -> memref<1x32x1024xf32, #tpu.memory_space<vmem>>
    %dma_start3A_523 = tpu.memref_squeeze %dma_start3A_522 : memref<1x32x1024xf32, #tpu.memory_space<vmem>> -> memref<32x1024xf32, #tpu.memory_space<vmem>>
    %dma_start3A_524 = arith.constant 352 : i32
    %dma_start3A_525 = tpu.memref_slice %arg5[%dma_start3A_524] : memref<512xi32, #tpu.memory_space<vmem>> -> memref<32xi32, #tpu.memory_space<vmem>>
    %dma_start3A_526 = arith.constant 0 : i32
    %dma_start3A_527 = arith.constant 0 : i32
    %dma_start3A_528 = tpu.memref_slice %arg3[%dma_start3A_526, %dma_start3A_527] : memref<8192x1024xf32, #tpu.memory_space<hbm>> -> memref<8192x1024xf32, #tpu.memory_space<hbm>>
    tpu.enqueue_indirect_dma source(%dma_start3A_528 : memref<8192x1024xf32, #tpu.memory_space<hbm>>) target(%dma_start3A_523 : memref<32x1024xf32, #tpu.memory_space<vmem>>) offsets(%dma_start3A_525 : memref<32xi32, #tpu.memory_space<vmem>>) semaphore(%arg9 : memref<!tpu.dma_semaphore, #tpu.memory_space<semaphore_mem>>)
    %dma_wait3A_529 = arith.constant 0 : i32
    %dma_wait3A_530 = arith.constant 0 : i32
    %dma_wait3A_531 = arith.constant 0 : i32
    %dma_wait3A_532 = tpu.memref_slice %arg6[%dma_wait3A_529, %dma_wait3A_530, %dma_wait3A_531] : memref<3x32x1024xf32, #tpu.memory_space<vmem>> -> memref<1x32x1024xf32, #tpu.memory_space<vmem>>
    %dma_wait3A_533 = tpu.memref_squeeze %dma_wait3A_532 : memref<1x32x1024xf32, #tpu.memory_space<vmem>> -> memref<32x1024xf32, #tpu.memory_space<vmem>>
    %dma_wait3A_534 = arith.constant 288 : i32
    %dma_wait3A_535 = tpu.memref_slice %arg5[%dma_wait3A_534] : memref<512xi32, #tpu.memory_space<vmem>> -> memref<32xi32, #tpu.memory_space<vmem>>
    %dma_wait3A_536 = arith.constant 0 : i32
    %dma_wait3A_537 = arith.constant 0 : i32
    %dma_wait3A_538 = tpu.memref_slice %arg3[%dma_wait3A_536, %dma_wait3A_537] : memref<8192x1024xf32, #tpu.memory_space<hbm>> -> memref<8192x1024xf32, #tpu.memory_space<hbm>>
    tpu.wait_indirect_dma semaphore(%arg7 : memref<!tpu.dma_semaphore, #tpu.memory_space<semaphore_mem>>) src(%dma_wait3A_538 : memref<8192x1024xf32, #tpu.memory_space<hbm>>) dst(%dma_wait3A_533 : memref<32x1024xf32, #tpu.memory_space<vmem>>)
    %add3A_539 = arith.constant 288 : i32
    %add3A_540 = arith.addi %mul3A_32, %add3A_539 : i32
    %dma_start3A_541 = arith.constant 0 : i32
    %dma_start3A_542 = arith.constant 0 : i32
    %dma_start3A_543 = arith.constant 0 : i32
    %dma_start3A_544 = tpu.memref_slice %arg6[%dma_start3A_541, %dma_start3A_542, %dma_start3A_543] : memref<3x32x1024xf32, #tpu.memory_space<vmem>> -> memref<1x32x1024xf32, #tpu.memory_space<vmem>>
    %dma_start3A_545 = tpu.memref_squeeze %dma_start3A_544 : memref<1x32x1024xf32, #tpu.memory_space<vmem>> -> memref<32x1024xf32, #tpu.memory_space<vmem>>
    %dma_start3A_546 = arith.constant 0 : i32
    %dma_start3A_547 = tpu.memref_slice %arg4[%select_n3A, %add3A_540, %dma_start3A_546] : memref<4x4096x1024xf32, #tpu.memory_space<hbm>> -> memref<1x32x1024xf32, #tpu.memory_space<hbm>>
    %dma_start3A_548 = tpu.memref_squeeze %dma_start3A_547 : memref<1x32x1024xf32, #tpu.memory_space<hbm>> -> memref<32x1024xf32, #tpu.memory_space<hbm>>
    %dma_start3A_549 = arith.constant 0 : i32
    %dma_start3A_550 = tpu.memref_slice %arg4[%select_n3A, %add3A_540, %dma_start3A_549] : memref<4x4096x1024xf32, #tpu.memory_space<hbm>> -> memref<1x32x1024xf32, #tpu.memory_space<hbm>>
    %dma_start3A_551 = tpu.memref_squeeze %dma_start3A_550 : memref<1x32x1024xf32, #tpu.memory_space<hbm>> -> memref<32x1024xf32, #tpu.memory_space<hbm>>
    %dma_start3A_552 = arith.constant 0 : i32
    %dma_start3A_553 = arith.constant 0 : i32
    %dma_start3A_554 = tpu.memref_slice %arg6[%dma_start3A_541, %dma_start3A_552, %dma_start3A_553] : memref<3x32x1024xf32, #tpu.memory_space<vmem>> -> memref<1x32x1024xf32, #tpu.memory_space<vmem>>
    %dma_start3A_555 = tpu.memref_squeeze %dma_start3A_554 : memref<1x32x1024xf32, #tpu.memory_space<vmem>> -> memref<32x1024xf32, #tpu.memory_space<vmem>>
    tpu.enqueue_dma source(%dma_start3A_555 : memref<32x1024xf32, #tpu.memory_space<vmem>>) target(%dma_start3A_551 : memref<32x1024xf32, #tpu.memory_space<hbm>>) target_semaphore(%arg10 : memref<!tpu.dma_semaphore, #tpu.memory_space<semaphore_mem>>)
    %dma_wait3A_556 = arith.constant 0 : i32
    %dma_wait3A_557 = arith.constant 0 : i32
    %dma_wait3A_558 = arith.constant 0 : i32
    %dma_wait3A_559 = tpu.memref_slice %arg6[%dma_wait3A_556, %dma_wait3A_557, %dma_wait3A_558] : memref<3x32x1024xf32, #tpu.memory_space<vmem>> -> memref<1x32x1024xf32, #tpu.memory_space<vmem>>
    %dma_wait3A_560 = tpu.memref_squeeze %dma_wait3A_559 : memref<1x32x1024xf32, #tpu.memory_space<vmem>> -> memref<32x1024xf32, #tpu.memory_space<vmem>>
    %dma_wait3A_561 = arith.constant 0 : i32
    %dma_wait3A_562 = tpu.memref_slice %arg4[%select_n3A, %add3A_540, %dma_wait3A_561] : memref<4x4096x1024xf32, #tpu.memory_space<hbm>> -> memref<1x32x1024xf32, #tpu.memory_space<hbm>>
    %dma_wait3A_563 = tpu.memref_squeeze %dma_wait3A_562 : memref<1x32x1024xf32, #tpu.memory_space<hbm>> -> memref<32x1024xf32, #tpu.memory_space<hbm>>
    %dma_wait3A_564 = arith.constant 0 : i32
    %dma_wait3A_565 = tpu.memref_slice %arg4[%select_n3A, %add3A_540, %dma_wait3A_564] : memref<4x4096x1024xf32, #tpu.memory_space<hbm>> -> memref<1x32x1024xf32, #tpu.memory_space<hbm>>
    %dma_wait3A_566 = tpu.memref_squeeze %dma_wait3A_565 : memref<1x32x1024xf32, #tpu.memory_space<hbm>> -> memref<32x1024xf32, #tpu.memory_space<hbm>>
    %dma_wait3A_567 = arith.constant 0 : i32
    %dma_wait3A_568 = arith.constant 0 : i32
    %dma_wait3A_569 = tpu.memref_slice %arg6[%dma_wait3A_556, %dma_wait3A_567, %dma_wait3A_568] : memref<3x32x1024xf32, #tpu.memory_space<vmem>> -> memref<1x32x1024xf32, #tpu.memory_space<vmem>>
    %dma_wait3A_570 = tpu.memref_squeeze %dma_wait3A_569 : memref<1x32x1024xf32, #tpu.memory_space<vmem>> -> memref<32x1024xf32, #tpu.memory_space<vmem>>
    tpu.wait_dma2 semaphore(%arg10 : memref<!tpu.dma_semaphore, #tpu.memory_space<semaphore_mem>>) src(%dma_wait3A_570 : memref<32x1024xf32, #tpu.memory_space<vmem>>) dst(%dma_wait3A_566 : memref<32x1024xf32, #tpu.memory_space<hbm>>)
    %dma_start3A_571 = arith.constant 0 : i32
    %dma_start3A_572 = arith.constant 0 : i32
    %dma_start3A_573 = arith.constant 0 : i32
    %dma_start3A_574 = tpu.memref_slice %arg6[%dma_start3A_571, %dma_start3A_572, %dma_start3A_573] : memref<3x32x1024xf32, #tpu.memory_space<vmem>> -> memref<1x32x1024xf32, #tpu.memory_space<vmem>>
    %dma_start3A_575 = tpu.memref_squeeze %dma_start3A_574 : memref<1x32x1024xf32, #tpu.memory_space<vmem>> -> memref<32x1024xf32, #tpu.memory_space<vmem>>
    %dma_start3A_576 = arith.constant 384 : i32
    %dma_start3A_577 = tpu.memref_slice %arg5[%dma_start3A_576] : memref<512xi32, #tpu.memory_space<vmem>> -> memref<32xi32, #tpu.memory_space<vmem>>
    %dma_start3A_578 = arith.constant 0 : i32
    %dma_start3A_579 = arith.constant 0 : i32
    %dma_start3A_580 = tpu.memref_slice %arg3[%dma_start3A_578, %dma_start3A_579] : memref<8192x1024xf32, #tpu.memory_space<hbm>> -> memref<8192x1024xf32, #tpu.memory_space<hbm>>
    tpu.enqueue_indirect_dma source(%dma_start3A_580 : memref<8192x1024xf32, #tpu.memory_space<hbm>>) target(%dma_start3A_575 : memref<32x1024xf32, #tpu.memory_space<vmem>>) offsets(%dma_start3A_577 : memref<32xi32, #tpu.memory_space<vmem>>) semaphore(%arg7 : memref<!tpu.dma_semaphore, #tpu.memory_space<semaphore_mem>>)
    %dma_wait3A_581 = arith.constant 1 : i32
    %dma_wait3A_582 = arith.constant 0 : i32
    %dma_wait3A_583 = arith.constant 0 : i32
    %dma_wait3A_584 = tpu.memref_slice %arg6[%dma_wait3A_581, %dma_wait3A_582, %dma_wait3A_583] : memref<3x32x1024xf32, #tpu.memory_space<vmem>> -> memref<1x32x1024xf32, #tpu.memory_space<vmem>>
    %dma_wait3A_585 = tpu.memref_squeeze %dma_wait3A_584 : memref<1x32x1024xf32, #tpu.memory_space<vmem>> -> memref<32x1024xf32, #tpu.memory_space<vmem>>
    %dma_wait3A_586 = arith.constant 320 : i32
    %dma_wait3A_587 = tpu.memref_slice %arg5[%dma_wait3A_586] : memref<512xi32, #tpu.memory_space<vmem>> -> memref<32xi32, #tpu.memory_space<vmem>>
    %dma_wait3A_588 = arith.constant 0 : i32
    %dma_wait3A_589 = arith.constant 0 : i32
    %dma_wait3A_590 = tpu.memref_slice %arg3[%dma_wait3A_588, %dma_wait3A_589] : memref<8192x1024xf32, #tpu.memory_space<hbm>> -> memref<8192x1024xf32, #tpu.memory_space<hbm>>
    tpu.wait_indirect_dma semaphore(%arg8 : memref<!tpu.dma_semaphore, #tpu.memory_space<semaphore_mem>>) src(%dma_wait3A_590 : memref<8192x1024xf32, #tpu.memory_space<hbm>>) dst(%dma_wait3A_585 : memref<32x1024xf32, #tpu.memory_space<vmem>>)
    %add3A_591 = arith.constant 320 : i32
    %add3A_592 = arith.addi %mul3A_32, %add3A_591 : i32
    %dma_start3A_593 = arith.constant 1 : i32
    %dma_start3A_594 = arith.constant 0 : i32
    %dma_start3A_595 = arith.constant 0 : i32
    %dma_start3A_596 = tpu.memref_slice %arg6[%dma_start3A_593, %dma_start3A_594, %dma_start3A_595] : memref<3x32x1024xf32, #tpu.memory_space<vmem>> -> memref<1x32x1024xf32, #tpu.memory_space<vmem>>
    %dma_start3A_597 = tpu.memref_squeeze %dma_start3A_596 : memref<1x32x1024xf32, #tpu.memory_space<vmem>> -> memref<32x1024xf32, #tpu.memory_space<vmem>>
    %dma_start3A_598 = arith.constant 0 : i32
    %dma_start3A_599 = tpu.memref_slice %arg4[%select_n3A, %add3A_592, %dma_start3A_598] : memref<4x4096x1024xf32, #tpu.memory_space<hbm>> -> memref<1x32x1024xf32, #tpu.memory_space<hbm>>
    %dma_start3A_600 = tpu.memref_squeeze %dma_start3A_599 : memref<1x32x1024xf32, #tpu.memory_space<hbm>> -> memref<32x1024xf32, #tpu.memory_space<hbm>>
    %dma_start3A_601 = arith.constant 0 : i32
    %dma_start3A_602 = tpu.memref_slice %arg4[%select_n3A, %add3A_592, %dma_start3A_601] : memref<4x4096x1024xf32, #tpu.memory_space<hbm>> -> memref<1x32x1024xf32, #tpu.memory_space<hbm>>
    %dma_start3A_603 = tpu.memref_squeeze %dma_start3A_602 : memref<1x32x1024xf32, #tpu.memory_space<hbm>> -> memref<32x1024xf32, #tpu.memory_space<hbm>>
    %dma_start3A_604 = arith.constant 0 : i32
    %dma_start3A_605 = arith.constant 0 : i32
    %dma_start3A_606 = tpu.memref_slice %arg6[%dma_start3A_593, %dma_start3A_604, %dma_start3A_605] : memref<3x32x1024xf32, #tpu.memory_space<vmem>> -> memref<1x32x1024xf32, #tpu.memory_space<vmem>>
    %dma_start3A_607 = tpu.memref_squeeze %dma_start3A_606 : memref<1x32x1024xf32, #tpu.memory_space<vmem>> -> memref<32x1024xf32, #tpu.memory_space<vmem>>
    tpu.enqueue_dma source(%dma_start3A_607 : memref<32x1024xf32, #tpu.memory_space<vmem>>) target(%dma_start3A_603 : memref<32x1024xf32, #tpu.memory_space<hbm>>) target_semaphore(%arg11 : memref<!tpu.dma_semaphore, #tpu.memory_space<semaphore_mem>>)
    %dma_wait3A_608 = arith.constant 1 : i32
    %dma_wait3A_609 = arith.constant 0 : i32
    %dma_wait3A_610 = arith.constant 0 : i32
    %dma_wait3A_611 = tpu.memref_slice %arg6[%dma_wait3A_608, %dma_wait3A_609, %dma_wait3A_610] : memref<3x32x1024xf32, #tpu.memory_space<vmem>> -> memref<1x32x1024xf32, #tpu.memory_space<vmem>>
    %dma_wait3A_612 = tpu.memref_squeeze %dma_wait3A_611 : memref<1x32x1024xf32, #tpu.memory_space<vmem>> -> memref<32x1024xf32, #tpu.memory_space<vmem>>
    %dma_wait3A_613 = arith.constant 0 : i32
    %dma_wait3A_614 = tpu.memref_slice %arg4[%select_n3A, %add3A_592, %dma_wait3A_613] : memref<4x4096x1024xf32, #tpu.memory_space<hbm>> -> memref<1x32x1024xf32, #tpu.memory_space<hbm>>
    %dma_wait3A_615 = tpu.memref_squeeze %dma_wait3A_614 : memref<1x32x1024xf32, #tpu.memory_space<hbm>> -> memref<32x1024xf32, #tpu.memory_space<hbm>>
    %dma_wait3A_616 = arith.constant 0 : i32
    %dma_wait3A_617 = tpu.memref_slice %arg4[%select_n3A, %add3A_592, %dma_wait3A_616] : memref<4x4096x1024xf32, #tpu.memory_space<hbm>> -> memref<1x32x1024xf32, #tpu.memory_space<hbm>>
    %dma_wait3A_618 = tpu.memref_squeeze %dma_wait3A_617 : memref<1x32x1024xf32, #tpu.memory_space<hbm>> -> memref<32x1024xf32, #tpu.memory_space<hbm>>
    %dma_wait3A_619 = arith.constant 0 : i32
    %dma_wait3A_620 = arith.constant 0 : i32
    %dma_wait3A_621 = tpu.memref_slice %arg6[%dma_wait3A_608, %dma_wait3A_619, %dma_wait3A_620] : memref<3x32x1024xf32, #tpu.memory_space<vmem>> -> memref<1x32x1024xf32, #tpu.memory_space<vmem>>
    %dma_wait3A_622 = tpu.memref_squeeze %dma_wait3A_621 : memref<1x32x1024xf32, #tpu.memory_space<vmem>> -> memref<32x1024xf32, #tpu.memory_space<vmem>>
    tpu.wait_dma2 semaphore(%arg11 : memref<!tpu.dma_semaphore, #tpu.memory_space<semaphore_mem>>) src(%dma_wait3A_622 : memref<32x1024xf32, #tpu.memory_space<vmem>>) dst(%dma_wait3A_618 : memref<32x1024xf32, #tpu.memory_space<hbm>>)
    %dma_start3A_623 = arith.constant 1 : i32
    %dma_start3A_624 = arith.constant 0 : i32
    %dma_start3A_625 = arith.constant 0 : i32
    %dma_start3A_626 = tpu.memref_slice %arg6[%dma_start3A_623, %dma_start3A_624, %dma_start3A_625] : memref<3x32x1024xf32, #tpu.memory_space<vmem>> -> memref<1x32x1024xf32, #tpu.memory_space<vmem>>
    %dma_start3A_627 = tpu.memref_squeeze %dma_start3A_626 : memref<1x32x1024xf32, #tpu.memory_space<vmem>> -> memref<32x1024xf32, #tpu.memory_space<vmem>>
    %dma_start3A_628 = arith.constant 416 : i32
    %dma_start3A_629 = tpu.memref_slice %arg5[%dma_start3A_628] : memref<512xi32, #tpu.memory_space<vmem>> -> memref<32xi32, #tpu.memory_space<vmem>>
    %dma_start3A_630 = arith.constant 0 : i32
    %dma_start3A_631 = arith.constant 0 : i32
    %dma_start3A_632 = tpu.memref_slice %arg3[%dma_start3A_630, %dma_start3A_631] : memref<8192x1024xf32, #tpu.memory_space<hbm>> -> memref<8192x1024xf32, #tpu.memory_space<hbm>>
    tpu.enqueue_indirect_dma source(%dma_start3A_632 : memref<8192x1024xf32, #tpu.memory_space<hbm>>) target(%dma_start3A_627 : memref<32x1024xf32, #tpu.memory_space<vmem>>) offsets(%dma_start3A_629 : memref<32xi32, #tpu.memory_space<vmem>>) semaphore(%arg8 : memref<!tpu.dma_semaphore, #tpu.memory_space<semaphore_mem>>)
    %dma_wait3A_633 = arith.constant 2 : i32
    %dma_wait3A_634 = arith.constant 0 : i32
    %dma_wait3A_635 = arith.constant 0 : i32
    %dma_wait3A_636 = tpu.memref_slice %arg6[%dma_wait3A_633, %dma_wait3A_634, %dma_wait3A_635] : memref<3x32x1024xf32, #tpu.memory_space<vmem>> -> memref<1x32x1024xf32, #tpu.memory_space<vmem>>
    %dma_wait3A_637 = tpu.memref_squeeze %dma_wait3A_636 : memref<1x32x1024xf32, #tpu.memory_space<vmem>> -> memref<32x1024xf32, #tpu.memory_space<vmem>>
    %dma_wait3A_638 = arith.constant 352 : i32
    %dma_wait3A_639 = tpu.memref_slice %arg5[%dma_wait3A_638] : memref<512xi32, #tpu.memory_space<vmem>> -> memref<32xi32, #tpu.memory_space<vmem>>
    %dma_wait3A_640 = arith.constant 0 : i32
    %dma_wait3A_641 = arith.constant 0 : i32
    %dma_wait3A_642 = tpu.memref_slice %arg3[%dma_wait3A_640, %dma_wait3A_641] : memref<8192x1024xf32, #tpu.memory_space<hbm>> -> memref<8192x1024xf32, #tpu.memory_space<hbm>>
    tpu.wait_indirect_dma semaphore(%arg9 : memref<!tpu.dma_semaphore, #tpu.memory_space<semaphore_mem>>) src(%dma_wait3A_642 : memref<8192x1024xf32, #tpu.memory_space<hbm>>) dst(%dma_wait3A_637 : memref<32x1024xf32, #tpu.memory_space<vmem>>)
    %add3A_643 = arith.constant 352 : i32
    %add3A_644 = arith.addi %mul3A_32, %add3A_643 : i32
    %dma_start3A_645 = arith.constant 2 : i32
    %dma_start3A_646 = arith.constant 0 : i32
    %dma_start3A_647 = arith.constant 0 : i32
    %dma_start3A_648 = tpu.memref_slice %arg6[%dma_start3A_645, %dma_start3A_646, %dma_start3A_647] : memref<3x32x1024xf32, #tpu.memory_space<vmem>> -> memref<1x32x1024xf32, #tpu.memory_space<vmem>>
    %dma_start3A_649 = tpu.memref_squeeze %dma_start3A_648 : memref<1x32x1024xf32, #tpu.memory_space<vmem>> -> memref<32x1024xf32, #tpu.memory_space<vmem>>
    %dma_start3A_650 = arith.constant 0 : i32
    %dma_start3A_651 = tpu.memref_slice %arg4[%select_n3A, %add3A_644, %dma_start3A_650] : memref<4x4096x1024xf32, #tpu.memory_space<hbm>> -> memref<1x32x1024xf32, #tpu.memory_space<hbm>>
    %dma_start3A_652 = tpu.memref_squeeze %dma_start3A_651 : memref<1x32x1024xf32, #tpu.memory_space<hbm>> -> memref<32x1024xf32, #tpu.memory_space<hbm>>
    %dma_start3A_653 = arith.constant 0 : i32
    %dma_start3A_654 = tpu.memref_slice %arg4[%select_n3A, %add3A_644, %dma_start3A_653] : memref<4x4096x1024xf32, #tpu.memory_space<hbm>> -> memref<1x32x1024xf32, #tpu.memory_space<hbm>>
    %dma_start3A_655 = tpu.memref_squeeze %dma_start3A_654 : memref<1x32x1024xf32, #tpu.memory_space<hbm>> -> memref<32x1024xf32, #tpu.memory_space<hbm>>
    %dma_start3A_656 = arith.constant 0 : i32
    %dma_start3A_657 = arith.constant 0 : i32
    %dma_start3A_658 = tpu.memref_slice %arg6[%dma_start3A_645, %dma_start3A_656, %dma_start3A_657] : memref<3x32x1024xf32, #tpu.memory_space<vmem>> -> memref<1x32x1024xf32, #tpu.memory_space<vmem>>
    %dma_start3A_659 = tpu.memref_squeeze %dma_start3A_658 : memref<1x32x1024xf32, #tpu.memory_space<vmem>> -> memref<32x1024xf32, #tpu.memory_space<vmem>>
    tpu.enqueue_dma source(%dma_start3A_659 : memref<32x1024xf32, #tpu.memory_space<vmem>>) target(%dma_start3A_655 : memref<32x1024xf32, #tpu.memory_space<hbm>>) target_semaphore(%arg12 : memref<!tpu.dma_semaphore, #tpu.memory_space<semaphore_mem>>)
    %dma_wait3A_660 = arith.constant 2 : i32
    %dma_wait3A_661 = arith.constant 0 : i32
    %dma_wait3A_662 = arith.constant 0 : i32
    %dma_wait3A_663 = tpu.memref_slice %arg6[%dma_wait3A_660, %dma_wait3A_661, %dma_wait3A_662] : memref<3x32x1024xf32, #tpu.memory_space<vmem>> -> memref<1x32x1024xf32, #tpu.memory_space<vmem>>
    %dma_wait3A_664 = tpu.memref_squeeze %dma_wait3A_663 : memref<1x32x1024xf32, #tpu.memory_space<vmem>> -> memref<32x1024xf32, #tpu.memory_space<vmem>>
    %dma_wait3A_665 = arith.constant 0 : i32
    %dma_wait3A_666 = tpu.memref_slice %arg4[%select_n3A, %add3A_644, %dma_wait3A_665] : memref<4x4096x1024xf32, #tpu.memory_space<hbm>> -> memref<1x32x1024xf32, #tpu.memory_space<hbm>>
    %dma_wait3A_667 = tpu.memref_squeeze %dma_wait3A_666 : memref<1x32x1024xf32, #tpu.memory_space<hbm>> -> memref<32x1024xf32, #tpu.memory_space<hbm>>
    %dma_wait3A_668 = arith.constant 0 : i32
    %dma_wait3A_669 = tpu.memref_slice %arg4[%select_n3A, %add3A_644, %dma_wait3A_668] : memref<4x4096x1024xf32, #tpu.memory_space<hbm>> -> memref<1x32x1024xf32, #tpu.memory_space<hbm>>
    %dma_wait3A_670 = tpu.memref_squeeze %dma_wait3A_669 : memref<1x32x1024xf32, #tpu.memory_space<hbm>> -> memref<32x1024xf32, #tpu.memory_space<hbm>>
    %dma_wait3A_671 = arith.constant 0 : i32
    %dma_wait3A_672 = arith.constant 0 : i32
    %dma_wait3A_673 = tpu.memref_slice %arg6[%dma_wait3A_660, %dma_wait3A_671, %dma_wait3A_672] : memref<3x32x1024xf32, #tpu.memory_space<vmem>> -> memref<1x32x1024xf32, #tpu.memory_space<vmem>>
    %dma_wait3A_674 = tpu.memref_squeeze %dma_wait3A_673 : memref<1x32x1024xf32, #tpu.memory_space<vmem>> -> memref<32x1024xf32, #tpu.memory_space<vmem>>
    tpu.wait_dma2 semaphore(%arg12 : memref<!tpu.dma_semaphore, #tpu.memory_space<semaphore_mem>>) src(%dma_wait3A_674 : memref<32x1024xf32, #tpu.memory_space<vmem>>) dst(%dma_wait3A_670 : memref<32x1024xf32, #tpu.memory_space<hbm>>)
    %dma_start3A_675 = arith.constant 2 : i32
    %dma_start3A_676 = arith.constant 0 : i32
    %dma_start3A_677 = arith.constant 0 : i32
    %dma_start3A_678 = tpu.memref_slice %arg6[%dma_start3A_675, %dma_start3A_676, %dma_start3A_677] : memref<3x32x1024xf32, #tpu.memory_space<vmem>> -> memref<1x32x1024xf32, #tpu.memory_space<vmem>>
    %dma_start3A_679 = tpu.memref_squeeze %dma_start3A_678 : memref<1x32x1024xf32, #tpu.memory_space<vmem>> -> memref<32x1024xf32, #tpu.memory_space<vmem>>
    %dma_start3A_680 = arith.constant 448 : i32
    %dma_start3A_681 = tpu.memref_slice %arg5[%dma_start3A_680] : memref<512xi32, #tpu.memory_space<vmem>> -> memref<32xi32, #tpu.memory_space<vmem>>
    %dma_start3A_682 = arith.constant 0 : i32
    %dma_start3A_683 = arith.constant 0 : i32
    %dma_start3A_684 = tpu.memref_slice %arg3[%dma_start3A_682, %dma_start3A_683] : memref<8192x1024xf32, #tpu.memory_space<hbm>> -> memref<8192x1024xf32, #tpu.memory_space<hbm>>
    tpu.enqueue_indirect_dma source(%dma_start3A_684 : memref<8192x1024xf32, #tpu.memory_space<hbm>>) target(%dma_start3A_679 : memref<32x1024xf32, #tpu.memory_space<vmem>>) offsets(%dma_start3A_681 : memref<32xi32, #tpu.memory_space<vmem>>) semaphore(%arg9 : memref<!tpu.dma_semaphore, #tpu.memory_space<semaphore_mem>>)
    %dma_wait3A_685 = arith.constant 0 : i32
    %dma_wait3A_686 = arith.constant 0 : i32
    %dma_wait3A_687 = arith.constant 0 : i32
    %dma_wait3A_688 = tpu.memref_slice %arg6[%dma_wait3A_685, %dma_wait3A_686, %dma_wait3A_687] : memref<3x32x1024xf32, #tpu.memory_space<vmem>> -> memref<1x32x1024xf32, #tpu.memory_space<vmem>>
    %dma_wait3A_689 = tpu.memref_squeeze %dma_wait3A_688 : memref<1x32x1024xf32, #tpu.memory_space<vmem>> -> memref<32x1024xf32, #tpu.memory_space<vmem>>
    %dma_wait3A_690 = arith.constant 384 : i32
    %dma_wait3A_691 = tpu.memref_slice %arg5[%dma_wait3A_690] : memref<512xi32, #tpu.memory_space<vmem>> -> memref<32xi32, #tpu.memory_space<vmem>>
    %dma_wait3A_692 = arith.constant 0 : i32
    %dma_wait3A_693 = arith.constant 0 : i32
    %dma_wait3A_694 = tpu.memref_slice %arg3[%dma_wait3A_692, %dma_wait3A_693] : memref<8192x1024xf32, #tpu.memory_space<hbm>> -> memref<8192x1024xf32, #tpu.memory_space<hbm>>
    tpu.wait_indirect_dma semaphore(%arg7 : memref<!tpu.dma_semaphore, #tpu.memory_space<semaphore_mem>>) src(%dma_wait3A_694 : memref<8192x1024xf32, #tpu.memory_space<hbm>>) dst(%dma_wait3A_689 : memref<32x1024xf32, #tpu.memory_space<vmem>>)
    %add3A_695 = arith.constant 384 : i32
    %add3A_696 = arith.addi %mul3A_32, %add3A_695 : i32
    %dma_start3A_697 = arith.constant 0 : i32
    %dma_start3A_698 = arith.constant 0 : i32
    %dma_start3A_699 = arith.constant 0 : i32
    %dma_start3A_700 = tpu.memref_slice %arg6[%dma_start3A_697, %dma_start3A_698, %dma_start3A_699] : memref<3x32x1024xf32, #tpu.memory_space<vmem>> -> memref<1x32x1024xf32, #tpu.memory_space<vmem>>
    %dma_start3A_701 = tpu.memref_squeeze %dma_start3A_700 : memref<1x32x1024xf32, #tpu.memory_space<vmem>> -> memref<32x1024xf32, #tpu.memory_space<vmem>>
    %dma_start3A_702 = arith.constant 0 : i32
    %dma_start3A_703 = tpu.memref_slice %arg4[%select_n3A, %add3A_696, %dma_start3A_702] : memref<4x4096x1024xf32, #tpu.memory_space<hbm>> -> memref<1x32x1024xf32, #tpu.memory_space<hbm>>
    %dma_start3A_704 = tpu.memref_squeeze %dma_start3A_703 : memref<1x32x1024xf32, #tpu.memory_space<hbm>> -> memref<32x1024xf32, #tpu.memory_space<hbm>>
    %dma_start3A_705 = arith.constant 0 : i32
    %dma_start3A_706 = tpu.memref_slice %arg4[%select_n3A, %add3A_696, %dma_start3A_705] : memref<4x4096x1024xf32, #tpu.memory_space<hbm>> -> memref<1x32x1024xf32, #tpu.memory_space<hbm>>
    %dma_start3A_707 = tpu.memref_squeeze %dma_start3A_706 : memref<1x32x1024xf32, #tpu.memory_space<hbm>> -> memref<32x1024xf32, #tpu.memory_space<hbm>>
    %dma_start3A_708 = arith.constant 0 : i32
    %dma_start3A_709 = arith.constant 0 : i32
    %dma_start3A_710 = tpu.memref_slice %arg6[%dma_start3A_697, %dma_start3A_708, %dma_start3A_709] : memref<3x32x1024xf32, #tpu.memory_space<vmem>> -> memref<1x32x1024xf32, #tpu.memory_space<vmem>>
    %dma_start3A_711 = tpu.memref_squeeze %dma_start3A_710 : memref<1x32x1024xf32, #tpu.memory_space<vmem>> -> memref<32x1024xf32, #tpu.memory_space<vmem>>
    tpu.enqueue_dma source(%dma_start3A_711 : memref<32x1024xf32, #tpu.memory_space<vmem>>) target(%dma_start3A_707 : memref<32x1024xf32, #tpu.memory_space<hbm>>) target_semaphore(%arg10 : memref<!tpu.dma_semaphore, #tpu.memory_space<semaphore_mem>>)
    %dma_wait3A_712 = arith.constant 0 : i32
    %dma_wait3A_713 = arith.constant 0 : i32
    %dma_wait3A_714 = arith.constant 0 : i32
    %dma_wait3A_715 = tpu.memref_slice %arg6[%dma_wait3A_712, %dma_wait3A_713, %dma_wait3A_714] : memref<3x32x1024xf32, #tpu.memory_space<vmem>> -> memref<1x32x1024xf32, #tpu.memory_space<vmem>>
    %dma_wait3A_716 = tpu.memref_squeeze %dma_wait3A_715 : memref<1x32x1024xf32, #tpu.memory_space<vmem>> -> memref<32x1024xf32, #tpu.memory_space<vmem>>
    %dma_wait3A_717 = arith.constant 0 : i32
    %dma_wait3A_718 = tpu.memref_slice %arg4[%select_n3A, %add3A_696, %dma_wait3A_717] : memref<4x4096x1024xf32, #tpu.memory_space<hbm>> -> memref<1x32x1024xf32, #tpu.memory_space<hbm>>
    %dma_wait3A_719 = tpu.memref_squeeze %dma_wait3A_718 : memref<1x32x1024xf32, #tpu.memory_space<hbm>> -> memref<32x1024xf32, #tpu.memory_space<hbm>>
    %dma_wait3A_720 = arith.constant 0 : i32
    %dma_wait3A_721 = tpu.memref_slice %arg4[%select_n3A, %add3A_696, %dma_wait3A_720] : memref<4x4096x1024xf32, #tpu.memory_space<hbm>> -> memref<1x32x1024xf32, #tpu.memory_space<hbm>>
    %dma_wait3A_722 = tpu.memref_squeeze %dma_wait3A_721 : memref<1x32x1024xf32, #tpu.memory_space<hbm>> -> memref<32x1024xf32, #tpu.memory_space<hbm>>
    %dma_wait3A_723 = arith.constant 0 : i32
    %dma_wait3A_724 = arith.constant 0 : i32
    %dma_wait3A_725 = tpu.memref_slice %arg6[%dma_wait3A_712, %dma_wait3A_723, %dma_wait3A_724] : memref<3x32x1024xf32, #tpu.memory_space<vmem>> -> memref<1x32x1024xf32, #tpu.memory_space<vmem>>
    %dma_wait3A_726 = tpu.memref_squeeze %dma_wait3A_725 : memref<1x32x1024xf32, #tpu.memory_space<vmem>> -> memref<32x1024xf32, #tpu.memory_space<vmem>>
    tpu.wait_dma2 semaphore(%arg10 : memref<!tpu.dma_semaphore, #tpu.memory_space<semaphore_mem>>) src(%dma_wait3A_726 : memref<32x1024xf32, #tpu.memory_space<vmem>>) dst(%dma_wait3A_722 : memref<32x1024xf32, #tpu.memory_space<hbm>>)
    %dma_start3A_727 = arith.constant 0 : i32
    %dma_start3A_728 = arith.constant 0 : i32
    %dma_start3A_729 = arith.constant 0 : i32
    %dma_start3A_730 = tpu.memref_slice %arg6[%dma_start3A_727, %dma_start3A_728, %dma_start3A_729] : memref<3x32x1024xf32, #tpu.memory_space<vmem>> -> memref<1x32x1024xf32, #tpu.memory_space<vmem>>
    %dma_start3A_731 = tpu.memref_squeeze %dma_start3A_730 : memref<1x32x1024xf32, #tpu.memory_space<vmem>> -> memref<32x1024xf32, #tpu.memory_space<vmem>>
    %dma_start3A_732 = arith.constant 480 : i32
    %dma_start3A_733 = tpu.memref_slice %arg5[%dma_start3A_732] : memref<512xi32, #tpu.memory_space<vmem>> -> memref<32xi32, #tpu.memory_space<vmem>>
    %dma_start3A_734 = arith.constant 0 : i32
    %dma_start3A_735 = arith.constant 0 : i32
    %dma_start3A_736 = tpu.memref_slice %arg3[%dma_start3A_734, %dma_start3A_735] : memref<8192x1024xf32, #tpu.memory_space<hbm>> -> memref<8192x1024xf32, #tpu.memory_space<hbm>>
    tpu.enqueue_indirect_dma source(%dma_start3A_736 : memref<8192x1024xf32, #tpu.memory_space<hbm>>) target(%dma_start3A_731 : memref<32x1024xf32, #tpu.memory_space<vmem>>) offsets(%dma_start3A_733 : memref<32xi32, #tpu.memory_space<vmem>>) semaphore(%arg7 : memref<!tpu.dma_semaphore, #tpu.memory_space<semaphore_mem>>)
    %dma_wait3A_737 = arith.constant 1 : i32
    %dma_wait3A_738 = arith.constant 0 : i32
    %dma_wait3A_739 = arith.constant 0 : i32
    %dma_wait3A_740 = tpu.memref_slice %arg6[%dma_wait3A_737, %dma_wait3A_738, %dma_wait3A_739] : memref<3x32x1024xf32, #tpu.memory_space<vmem>> -> memref<1x32x1024xf32, #tpu.memory_space<vmem>>
    %dma_wait3A_741 = tpu.memref_squeeze %dma_wait3A_740 : memref<1x32x1024xf32, #tpu.memory_space<vmem>> -> memref<32x1024xf32, #tpu.memory_space<vmem>>
    %dma_wait3A_742 = arith.constant 416 : i32
    %dma_wait3A_743 = tpu.memref_slice %arg5[%dma_wait3A_742] : memref<512xi32, #tpu.memory_space<vmem>> -> memref<32xi32, #tpu.memory_space<vmem>>
    %dma_wait3A_744 = arith.constant 0 : i32
    %dma_wait3A_745 = arith.constant 0 : i32
    %dma_wait3A_746 = tpu.memref_slice %arg3[%dma_wait3A_744, %dma_wait3A_745] : memref<8192x1024xf32, #tpu.memory_space<hbm>> -> memref<8192x1024xf32, #tpu.memory_space<hbm>>
    tpu.wait_indirect_dma semaphore(%arg8 : memref<!tpu.dma_semaphore, #tpu.memory_space<semaphore_mem>>) src(%dma_wait3A_746 : memref<8192x1024xf32, #tpu.memory_space<hbm>>) dst(%dma_wait3A_741 : memref<32x1024xf32, #tpu.memory_space<vmem>>)
    %add3A_747 = arith.constant 416 : i32
    %add3A_748 = arith.addi %mul3A_32, %add3A_747 : i32
    %dma_start3A_749 = arith.constant 1 : i32
    %dma_start3A_750 = arith.constant 0 : i32
    %dma_start3A_751 = arith.constant 0 : i32
    %dma_start3A_752 = tpu.memref_slice %arg6[%dma_start3A_749, %dma_start3A_750, %dma_start3A_751] : memref<3x32x1024xf32, #tpu.memory_space<vmem>> -> memref<1x32x1024xf32, #tpu.memory_space<vmem>>
    %dma_start3A_753 = tpu.memref_squeeze %dma_start3A_752 : memref<1x32x1024xf32, #tpu.memory_space<vmem>> -> memref<32x1024xf32, #tpu.memory_space<vmem>>
    %dma_start3A_754 = arith.constant 0 : i32
    %dma_start3A_755 = tpu.memref_slice %arg4[%select_n3A, %add3A_748, %dma_start3A_754] : memref<4x4096x1024xf32, #tpu.memory_space<hbm>> -> memref<1x32x1024xf32, #tpu.memory_space<hbm>>
    %dma_start3A_756 = tpu.memref_squeeze %dma_start3A_755 : memref<1x32x1024xf32, #tpu.memory_space<hbm>> -> memref<32x1024xf32, #tpu.memory_space<hbm>>
    %dma_start3A_757 = arith.constant 0 : i32
    %dma_start3A_758 = tpu.memref_slice %arg4[%select_n3A, %add3A_748, %dma_start3A_757] : memref<4x4096x1024xf32, #tpu.memory_space<hbm>> -> memref<1x32x1024xf32, #tpu.memory_space<hbm>>
    %dma_start3A_759 = tpu.memref_squeeze %dma_start3A_758 : memref<1x32x1024xf32, #tpu.memory_space<hbm>> -> memref<32x1024xf32, #tpu.memory_space<hbm>>
    %dma_start3A_760 = arith.constant 0 : i32
    %dma_start3A_761 = arith.constant 0 : i32
    %dma_start3A_762 = tpu.memref_slice %arg6[%dma_start3A_749, %dma_start3A_760, %dma_start3A_761] : memref<3x32x1024xf32, #tpu.memory_space<vmem>> -> memref<1x32x1024xf32, #tpu.memory_space<vmem>>
    %dma_start3A_763 = tpu.memref_squeeze %dma_start3A_762 : memref<1x32x1024xf32, #tpu.memory_space<vmem>> -> memref<32x1024xf32, #tpu.memory_space<vmem>>
    tpu.enqueue_dma source(%dma_start3A_763 : memref<32x1024xf32, #tpu.memory_space<vmem>>) target(%dma_start3A_759 : memref<32x1024xf32, #tpu.memory_space<hbm>>) target_semaphore(%arg11 : memref<!tpu.dma_semaphore, #tpu.memory_space<semaphore_mem>>)
    %dma_wait3A_764 = arith.constant 2 : i32
    %dma_wait3A_765 = arith.constant 0 : i32
    %dma_wait3A_766 = arith.constant 0 : i32
    %dma_wait3A_767 = tpu.memref_slice %arg6[%dma_wait3A_764, %dma_wait3A_765, %dma_wait3A_766] : memref<3x32x1024xf32, #tpu.memory_space<vmem>> -> memref<1x32x1024xf32, #tpu.memory_space<vmem>>
    %dma_wait3A_768 = tpu.memref_squeeze %dma_wait3A_767 : memref<1x32x1024xf32, #tpu.memory_space<vmem>> -> memref<32x1024xf32, #tpu.memory_space<vmem>>
    %dma_wait3A_769 = arith.constant 448 : i32
    %dma_wait3A_770 = tpu.memref_slice %arg5[%dma_wait3A_769] : memref<512xi32, #tpu.memory_space<vmem>> -> memref<32xi32, #tpu.memory_space<vmem>>
    %dma_wait3A_771 = arith.constant 0 : i32
    %dma_wait3A_772 = arith.constant 0 : i32
    %dma_wait3A_773 = tpu.memref_slice %arg3[%dma_wait3A_771, %dma_wait3A_772] : memref<8192x1024xf32, #tpu.memory_space<hbm>> -> memref<8192x1024xf32, #tpu.memory_space<hbm>>
    tpu.wait_indirect_dma semaphore(%arg9 : memref<!tpu.dma_semaphore, #tpu.memory_space<semaphore_mem>>) src(%dma_wait3A_773 : memref<8192x1024xf32, #tpu.memory_space<hbm>>) dst(%dma_wait3A_768 : memref<32x1024xf32, #tpu.memory_space<vmem>>)
    %add3A_774 = arith.constant 448 : i32
    %add3A_775 = arith.addi %mul3A_32, %add3A_774 : i32
    %dma_start3A_776 = arith.constant 2 : i32
    %dma_start3A_777 = arith.constant 0 : i32
    %dma_start3A_778 = arith.constant 0 : i32
    %dma_start3A_779 = tpu.memref_slice %arg6[%dma_start3A_776, %dma_start3A_777, %dma_start3A_778] : memref<3x32x1024xf32, #tpu.memory_space<vmem>> -> memref<1x32x1024xf32, #tpu.memory_space<vmem>>
    %dma_start3A_780 = tpu.memref_squeeze %dma_start3A_779 : memref<1x32x1024xf32, #tpu.memory_space<vmem>> -> memref<32x1024xf32, #tpu.memory_space<vmem>>
    %dma_start3A_781 = arith.constant 0 : i32
    %dma_start3A_782 = tpu.memref_slice %arg4[%select_n3A, %add3A_775, %dma_start3A_781] : memref<4x4096x1024xf32, #tpu.memory_space<hbm>> -> memref<1x32x1024xf32, #tpu.memory_space<hbm>>
    %dma_start3A_783 = tpu.memref_squeeze %dma_start3A_782 : memref<1x32x1024xf32, #tpu.memory_space<hbm>> -> memref<32x1024xf32, #tpu.memory_space<hbm>>
    %dma_start3A_784 = arith.constant 0 : i32
    %dma_start3A_785 = tpu.memref_slice %arg4[%select_n3A, %add3A_775, %dma_start3A_784] : memref<4x4096x1024xf32, #tpu.memory_space<hbm>> -> memref<1x32x1024xf32, #tpu.memory_space<hbm>>
    %dma_start3A_786 = tpu.memref_squeeze %dma_start3A_785 : memref<1x32x1024xf32, #tpu.memory_space<hbm>> -> memref<32x1024xf32, #tpu.memory_space<hbm>>
    %dma_start3A_787 = arith.constant 0 : i32
    %dma_start3A_788 = arith.constant 0 : i32
    %dma_start3A_789 = tpu.memref_slice %arg6[%dma_start3A_776, %dma_start3A_787, %dma_start3A_788] : memref<3x32x1024xf32, #tpu.memory_space<vmem>> -> memref<1x32x1024xf32, #tpu.memory_space<vmem>>
    %dma_start3A_790 = tpu.memref_squeeze %dma_start3A_789 : memref<1x32x1024xf32, #tpu.memory_space<vmem>> -> memref<32x1024xf32, #tpu.memory_space<vmem>>
    tpu.enqueue_dma source(%dma_start3A_790 : memref<32x1024xf32, #tpu.memory_space<vmem>>) target(%dma_start3A_786 : memref<32x1024xf32, #tpu.memory_space<hbm>>) target_semaphore(%arg12 : memref<!tpu.dma_semaphore, #tpu.memory_space<semaphore_mem>>)
    %dma_wait3A_791 = arith.constant 0 : i32
    %dma_wait3A_792 = arith.constant 0 : i32
    %dma_wait3A_793 = arith.constant 0 : i32
    %dma_wait3A_794 = tpu.memref_slice %arg6[%dma_wait3A_791, %dma_wait3A_792, %dma_wait3A_793] : memref<3x32x1024xf32, #tpu.memory_space<vmem>> -> memref<1x32x1024xf32, #tpu.memory_space<vmem>>
    %dma_wait3A_795 = tpu.memref_squeeze %dma_wait3A_794 : memref<1x32x1024xf32, #tpu.memory_space<vmem>> -> memref<32x1024xf32, #tpu.memory_space<vmem>>
    %dma_wait3A_796 = arith.constant 480 : i32
    %dma_wait3A_797 = tpu.memref_slice %arg5[%dma_wait3A_796] : memref<512xi32, #tpu.memory_space<vmem>> -> memref<32xi32, #tpu.memory_space<vmem>>
    %dma_wait3A_798 = arith.constant 0 : i32
    %dma_wait3A_799 = arith.constant 0 : i32
    %dma_wait3A_800 = tpu.memref_slice %arg3[%dma_wait3A_798, %dma_wait3A_799] : memref<8192x1024xf32, #tpu.memory_space<hbm>> -> memref<8192x1024xf32, #tpu.memory_space<hbm>>
    tpu.wait_indirect_dma semaphore(%arg7 : memref<!tpu.dma_semaphore, #tpu.memory_space<semaphore_mem>>) src(%dma_wait3A_800 : memref<8192x1024xf32, #tpu.memory_space<hbm>>) dst(%dma_wait3A_795 : memref<32x1024xf32, #tpu.memory_space<vmem>>)
    %add3A_801 = arith.constant 480 : i32
    %add3A_802 = arith.addi %mul3A_32, %add3A_801 : i32
    %dma_start3A_803 = arith.constant 0 : i32
    %dma_start3A_804 = arith.constant 0 : i32
    %dma_start3A_805 = arith.constant 0 : i32
    %dma_start3A_806 = tpu.memref_slice %arg6[%dma_start3A_803, %dma_start3A_804, %dma_start3A_805] : memref<3x32x1024xf32, #tpu.memory_space<vmem>> -> memref<1x32x1024xf32, #tpu.memory_space<vmem>>
    %dma_start3A_807 = tpu.memref_squeeze %dma_start3A_806 : memref<1x32x1024xf32, #tpu.memory_space<vmem>> -> memref<32x1024xf32, #tpu.memory_space<vmem>>
    %dma_start3A_808 = arith.constant 0 : i32
    %dma_start3A_809 = tpu.memref_slice %arg4[%select_n3A, %add3A_802, %dma_start3A_808] : memref<4x4096x1024xf32, #tpu.memory_space<hbm>> -> memref<1x32x1024xf32, #tpu.memory_space<hbm>>
    %dma_start3A_810 = tpu.memref_squeeze %dma_start3A_809 : memref<1x32x1024xf32, #tpu.memory_space<hbm>> -> memref<32x1024xf32, #tpu.memory_space<hbm>>
    %dma_start3A_811 = arith.constant 0 : i32
    %dma_start3A_812 = tpu.memref_slice %arg4[%select_n3A, %add3A_802, %dma_start3A_811] : memref<4x4096x1024xf32, #tpu.memory_space<hbm>> -> memref<1x32x1024xf32, #tpu.memory_space<hbm>>
    %dma_start3A_813 = tpu.memref_squeeze %dma_start3A_812 : memref<1x32x1024xf32, #tpu.memory_space<hbm>> -> memref<32x1024xf32, #tpu.memory_space<hbm>>
    %dma_start3A_814 = arith.constant 0 : i32
    %dma_start3A_815 = arith.constant 0 : i32
    %dma_start3A_816 = tpu.memref_slice %arg6[%dma_start3A_803, %dma_start3A_814, %dma_start3A_815] : memref<3x32x1024xf32, #tpu.memory_space<vmem>> -> memref<1x32x1024xf32, #tpu.memory_space<vmem>>
    %dma_start3A_817 = tpu.memref_squeeze %dma_start3A_816 : memref<1x32x1024xf32, #tpu.memory_space<vmem>> -> memref<32x1024xf32, #tpu.memory_space<vmem>>
    tpu.enqueue_dma source(%dma_start3A_817 : memref<32x1024xf32, #tpu.memory_space<vmem>>) target(%dma_start3A_813 : memref<32x1024xf32, #tpu.memory_space<hbm>>) target_semaphore(%arg10 : memref<!tpu.dma_semaphore, #tpu.memory_space<semaphore_mem>>)
    %dma_wait3A_818 = arith.constant 1 : i32
    %dma_wait3A_819 = arith.constant 0 : i32
    %dma_wait3A_820 = arith.constant 0 : i32
    %dma_wait3A_821 = tpu.memref_slice %arg6[%dma_wait3A_818, %dma_wait3A_819, %dma_wait3A_820] : memref<3x32x1024xf32, #tpu.memory_space<vmem>> -> memref<1x32x1024xf32, #tpu.memory_space<vmem>>
    %dma_wait3A_822 = tpu.memref_squeeze %dma_wait3A_821 : memref<1x32x1024xf32, #tpu.memory_space<vmem>> -> memref<32x1024xf32, #tpu.memory_space<vmem>>
    %dma_wait3A_823 = arith.constant 0 : i32
    %dma_wait3A_824 = tpu.memref_slice %arg4[%select_n3A, %add3A_748, %dma_wait3A_823] : memref<4x4096x1024xf32, #tpu.memory_space<hbm>> -> memref<1x32x1024xf32, #tpu.memory_space<hbm>>
    %dma_wait3A_825 = tpu.memref_squeeze %dma_wait3A_824 : memref<1x32x1024xf32, #tpu.memory_space<hbm>> -> memref<32x1024xf32, #tpu.memory_space<hbm>>
    %dma_wait3A_826 = arith.constant 0 : i32
    %dma_wait3A_827 = tpu.memref_slice %arg4[%select_n3A, %add3A_748, %dma_wait3A_826] : memref<4x4096x1024xf32, #tpu.memory_space<hbm>> -> memref<1x32x1024xf32, #tpu.memory_space<hbm>>
    %dma_wait3A_828 = tpu.memref_squeeze %dma_wait3A_827 : memref<1x32x1024xf32, #tpu.memory_space<hbm>> -> memref<32x1024xf32, #tpu.memory_space<hbm>>
    %dma_wait3A_829 = arith.constant 0 : i32
    %dma_wait3A_830 = arith.constant 0 : i32
    %dma_wait3A_831 = tpu.memref_slice %arg6[%dma_wait3A_818, %dma_wait3A_829, %dma_wait3A_830] : memref<3x32x1024xf32, #tpu.memory_space<vmem>> -> memref<1x32x1024xf32, #tpu.memory_space<vmem>>
    %dma_wait3A_832 = tpu.memref_squeeze %dma_wait3A_831 : memref<1x32x1024xf32, #tpu.memory_space<vmem>> -> memref<32x1024xf32, #tpu.memory_space<vmem>>
    tpu.wait_dma2 semaphore(%arg11 : memref<!tpu.dma_semaphore, #tpu.memory_space<semaphore_mem>>) src(%dma_wait3A_832 : memref<32x1024xf32, #tpu.memory_space<vmem>>) dst(%dma_wait3A_828 : memref<32x1024xf32, #tpu.memory_space<hbm>>)
    %dma_wait3A_833 = arith.constant 2 : i32
    %dma_wait3A_834 = arith.constant 0 : i32
    %dma_wait3A_835 = arith.constant 0 : i32
    %dma_wait3A_836 = tpu.memref_slice %arg6[%dma_wait3A_833, %dma_wait3A_834, %dma_wait3A_835] : memref<3x32x1024xf32, #tpu.memory_space<vmem>> -> memref<1x32x1024xf32, #tpu.memory_space<vmem>>
    %dma_wait3A_837 = tpu.memref_squeeze %dma_wait3A_836 : memref<1x32x1024xf32, #tpu.memory_space<vmem>> -> memref<32x1024xf32, #tpu.memory_space<vmem>>
    %dma_wait3A_838 = arith.constant 0 : i32
    %dma_wait3A_839 = tpu.memref_slice %arg4[%select_n3A, %add3A_775, %dma_wait3A_838] : memref<4x4096x1024xf32, #tpu.memory_space<hbm>> -> memref<1x32x1024xf32, #tpu.memory_space<hbm>>
    %dma_wait3A_840 = tpu.memref_squeeze %dma_wait3A_839 : memref<1x32x1024xf32, #tpu.memory_space<hbm>> -> memref<32x1024xf32, #tpu.memory_space<hbm>>
    %dma_wait3A_841 = arith.constant 0 : i32
    %dma_wait3A_842 = tpu.memref_slice %arg4[%select_n3A, %add3A_775, %dma_wait3A_841] : memref<4x4096x1024xf32, #tpu.memory_space<hbm>> -> memref<1x32x1024xf32, #tpu.memory_space<hbm>>
    %dma_wait3A_843 = tpu.memref_squeeze %dma_wait3A_842 : memref<1x32x1024xf32, #tpu.memory_space<hbm>> -> memref<32x1024xf32, #tpu.memory_space<hbm>>
    %dma_wait3A_844 = arith.constant 0 : i32
    %dma_wait3A_845 = arith.constant 0 : i32
    %dma_wait3A_846 = tpu.memref_slice %arg6[%dma_wait3A_833, %dma_wait3A_844, %dma_wait3A_845] : memref<3x32x1024xf32, #tpu.memory_space<vmem>> -> memref<1x32x1024xf32, #tpu.memory_space<vmem>>
    %dma_wait3A_847 = tpu.memref_squeeze %dma_wait3A_846 : memref<1x32x1024xf32, #tpu.memory_space<vmem>> -> memref<32x1024xf32, #tpu.memory_space<vmem>>
    tpu.wait_dma2 semaphore(%arg12 : memref<!tpu.dma_semaphore, #tpu.memory_space<semaphore_mem>>) src(%dma_wait3A_847 : memref<32x1024xf32, #tpu.memory_space<vmem>>) dst(%dma_wait3A_843 : memref<32x1024xf32, #tpu.memory_space<hbm>>)
    %dma_wait3A_848 = arith.constant 0 : i32
    %dma_wait3A_849 = arith.constant 0 : i32
    %dma_wait3A_850 = arith.constant 0 : i32
    %dma_wait3A_851 = tpu.memref_slice %arg6[%dma_wait3A_848, %dma_wait3A_849, %dma_wait3A_850] : memref<3x32x1024xf32, #tpu.memory_space<vmem>> -> memref<1x32x1024xf32, #tpu.memory_space<vmem>>
    %dma_wait3A_852 = tpu.memref_squeeze %dma_wait3A_851 : memref<1x32x1024xf32, #tpu.memory_space<vmem>> -> memref<32x1024xf32, #tpu.memory_space<vmem>>
    %dma_wait3A_853 = arith.constant 0 : i32
    %dma_wait3A_854 = tpu.memref_slice %arg4[%select_n3A, %add3A_802, %dma_wait3A_853] : memref<4x4096x1024xf32, #tpu.memory_space<hbm>> -> memref<1x32x1024xf32, #tpu.memory_space<hbm>>
    %dma_wait3A_855 = tpu.memref_squeeze %dma_wait3A_854 : memref<1x32x1024xf32, #tpu.memory_space<hbm>> -> memref<32x1024xf32, #tpu.memory_space<hbm>>
    %dma_wait3A_856 = arith.constant 0 : i32
    %dma_wait3A_857 = tpu.memref_slice %arg4[%select_n3A, %add3A_802, %dma_wait3A_856] : memref<4x4096x1024xf32, #tpu.memory_space<hbm>> -> memref<1x32x1024xf32, #tpu.memory_space<hbm>>
    %dma_wait3A_858 = tpu.memref_squeeze %dma_wait3A_857 : memref<1x32x1024xf32, #tpu.memory_space<hbm>> -> memref<32x1024xf32, #tpu.memory_space<hbm>>
    %dma_wait3A_859 = arith.constant 0 : i32
    %dma_wait3A_860 = arith.constant 0 : i32
    %dma_wait3A_861 = tpu.memref_slice %arg6[%dma_wait3A_848, %dma_wait3A_859, %dma_wait3A_860] : memref<3x32x1024xf32, #tpu.memory_space<vmem>> -> memref<1x32x1024xf32, #tpu.memory_space<vmem>>
    %dma_wait3A_862 = tpu.memref_squeeze %dma_wait3A_861 : memref<1x32x1024xf32, #tpu.memory_space<vmem>> -> memref<32x1024xf32, #tpu.memory_space<vmem>>
    tpu.wait_dma2 semaphore(%arg10 : memref<!tpu.dma_semaphore, #tpu.memory_space<semaphore_mem>>) src(%dma_wait3A_862 : memref<32x1024xf32, #tpu.memory_space<vmem>>) dst(%dma_wait3A_858 : memref<32x1024xf32, #tpu.memory_space<hbm>>)
    return
  }
}

</mosaic_0001>

<sc_bundles>
// kernel: kernel.3.cloned.1.call-start
scs
__scs_entry_jumppad:
0x0: {  	(pc) =	sbr.rel $0x88, $3  }
0x1: {  	(tag) =	ssettag $0x0;
	lr =	simm.s32 $0x1  }
0x2: {  	[smem:$0x3F9F] =	sst lr;
	_ =	strace $0xD0000000  }
0x3: {  	_ = 	snop  }
0x4: {  	_ = 	snop  }
0x5: {  	_ = 	snop  }
0x6: {  	_ = 	snop  }
0x7: {  	_ = 	snop  }
__scs_overlays_trampoline_lowered:
0x8: {  	[smem:$0x3FAE] =	sst s0  }
0x9: {  	[smem:$0x3FAF] =	sst s1  }
0xa: {  	[smem:$0x3FB0] =	sst s2  }
0xb: {  	[smem:$0x3FB1] =	sst s3  }
0xc: {  	[smem:$0x3FB2] =	sst s4  }
0xd: {  	[smem:$0x3FB3] =	sst s5  }
0xe: {  	[smem:$0x3FB4] =	sst s6  }
0xf: {  	[smem:$0x3FB5] =	sst s7  }
0x10: {  	[smem:$0x3FB6] =	sst s8  }
0x11: {  	[smem:$0x3FB7] =	sst s9;
	s0 =	simm.s32 @!p0 $0x0  }
0x12: {  	s1 =	sld [smem:$0x3F9D];
	s0 =	simm.s32 @p0 $0x1  }
0x13: {  	[smem:$0x3FB8] =	sst s0;
	s0 =	simm.s32 @!p1 $0x0  }
0x14: {  	s2 =	sld [smem:$0x3F9C];
	s0 =	simm.s32 @p1 $0x1  }
0x15: {  	[smem:$0x3FB9] =	sst s0;
	s0 =	simm.s32 @!p2 $0x0  }
0x16: {  	s3 =	sld [smem:$0x3FDB];
	s0 =	simm.s32 @p2 $0x1  }
0x17: {  	s4 =	simm.s32 $0x1BF5;
	[smem:$0x3FBB] =	sst s0  }
0x18: {  	s0 =	sld [smem:$0x3F9E];
	_ =	swait.ge [sflag:s4], $0x0  }
0x19: {  	s7 =	sld [smem:$0x3F9F]  }
0x1a: {  	s8 =	sadd.s32 $0xFFFFE003, lr  }
0x1b: {  	s9 =	sadd.s32 $0xFFFFFEF7, lr;
	s5 =	simm.s32 $0xFFFFFFFF;
	p2 =	slt.u32 s8, $0xFFFFF086  }
0x1c: {  	p1 =	slt.u32 s9, $0xF7A;
	s5 =	simm.s32 @!p2 $0x0  }
0x1d: {  	s5 =	simm.s32 @p1 $0x1;
	p0 =	seq.s32 s7, s2  }
0x1e: {  	s7 =	smul.u32 @!p0 $0xF7A, s2;
	p2 =	seq.s32 @!p0 s5, $0x0  }
0x1f: {  	s9 =	smul.u32 $0xF7A, s1;
	s8 =	simm.s32 @!p0 $0x1BF5;
	p2 =	por !p2, p0  }
0x20: {  	[sflag:s8] =	ssyncset.s32 @!p0 $0xFFFFF086;
	s6 =	sadd.s32 @!p0 s3, s7;
	s7 =	simm.s32 @!p0 $0x108  }
0x21: {  	s3 =	sadd.s32 s3, s9;
	s6 =	sadd.s32 @!p0 $0x88, s6;
	s7 =	simm.s32 @p2 $0x1082  }
0x22: {  	[simem:s7], [sflag:s8] =	dma.local @!p0 [hbm:s6], $0xF7A  }
0x23: {  	s9 =	sor.u32 $0xD0000000, s2;
	s6 =	simm.s32 $0x108;
	_ =	swait.ge @!p0 [sflag:s8], $0x0  }
0x24: {  	s3 =	sadd.s32 $0x88, s3;
	s6 =	simm.s32 @!p1 $0x1082;
	[sflag:s4] =	ssyncset.s32 $0xFFFFF086  }
0x25: {  	[simem:s6], [sflag:s4] =	dma.local [hbm:s3], $0xF7A  }
0x26: {  	[smem:$0x3F9F] =	sst s1;
	(tag) =	ssettag s2;
	_ =	strace s9  }
0x27: {  	s1 =	sld [smem:$0x3FAF]  }
0x28: {  	s2 =	sld [smem:$0x3FB0]  }
0x29: {  	s4 =	sld [smem:$0x3FB2]  }
0x2a: {  	p0 =	seq.s32 s5, $0x0;
	s5 =	sld [smem:$0x3FB3]  }
0x2b: {  	s6 =	sld [smem:$0x3FB4]  }
0x2c: {  	s7 =	sld [smem:$0x3FB5]  }
0x2d: {  	s3 =	simm.s32 $0x108;
	s8 =	sld [smem:$0x3FB6]  }
0x2e: {  	s3 =	simm.s32 @!p0 $0x1082;
	s9 =	sld [smem:$0x3FB7]  }
0x2f: {  	lr =	sadd.s32 s0, s3;
	s0 =	sld [smem:$0x3FAE]  }
0x30: {  	s3 =	sld [smem:$0x3FB1]  }
0x31: {  	[smem:$0x3FBA] =	sst s10  }
0x32: {  	s10 =	sld [smem:$0x3FB8];
	_ =	sdelay $0x3  }
0x33: {  	p0 =	seq.s32 s10, $0x1;
	s10 =	sld [smem:$0x3FBA];
	_ =	sdelay $0x3  }
0x34: {  	[smem:$0x3FBA] =	sst s10  }
0x35: {  	s10 =	sld [smem:$0x3FB9];
	_ =	sdelay $0x3  }
0x36: {  	p1 =	seq.s32 s10, $0x1;
	s10 =	sld [smem:$0x3FBA];
	_ =	sdelay $0x3  }
0x37: {  	[smem:$0x3FBA] =	sst s10  }
0x38: {  	s10 =	sld [smem:$0x3FBB]  }
0x39: {  	_ = 	snop;
	(pc) =	sbr.ind lr, $3  }
0x3a: {  	_ = 	snop  }
0x3b: {  	_ = 	snop  }
0x3c: {  	p2 =	seq.s32 s10, $0x1;
	s10 =	sld [smem:$0x3FBA]  }
0x3d: {  	_ =	shalt  }
0x3e: {  	_ =	shalt  }
0x3f: {  	_ =	shalt  }
0x40: {  	_ =	shalt  }
0x41: {  	_ =	shalt  }
0x42: {  	_ =	shalt  }
0x43: {  	_ =	shalt  }
0x44: {  	_ =	shalt  }
0x45: {  	_ =	shalt  }
0x46: {  	_ =	shalt  }
0x47: {  	_ =	shalt  }
0x48: {  	_ =	shalt  }
0x49: {  	_ =	shalt  }
0x4a: {  	_ =	shalt  }
0x4b: {  	_ =	shalt  }
0x4c: {  	_ =	shalt  }
0x4d: {  	_ =	shalt  }
0x4e: {  	_ =	shalt  }
0x4f: {  	_ =	shalt  }
0x50: {  	_ =	shalt  }
0x51: {  	_ =	shalt  }
0x52: {  	_ =	shalt  }
0x53: {  	_ =	shalt  }
0x54: {  	_ =	shalt  }
0x55: {  	_ =	shalt  }
0x56: {  	_ =	shalt  }
0x57: {  	_ =	shalt  }
0x58: {  	_ =	shalt  }
0x59: {  	_ =	shalt  }
0x5a: {  	_ =	shalt  }
0x5b: {  	_ =	shalt  }
0x5c: {  	_ =	shalt  }
0x5d: {  	_ =	shalt  }
0x5e: {  	_ =	shalt  }
0x5f: {  	_ =	shalt  }
0x60: {  	_ =	shalt  }
0x61: {  	_ =	shalt  }
0x62: {  	_ =	shalt  }
0x63: {  	_ =	shalt  }
0x64: {  	_ =	shalt  }
0x65: {  	_ =	shalt  }
0x66: {  	_ =	shalt  }
0x67: {  	_ =	shalt  }
0x68: {  	_ =	shalt  }
0x69: {  	_ =	shalt  }
0x6a: {  	_ =	shalt  }
0x6b: {  	_ =	shalt  }
0x6c: {  	_ =	shalt  }
0x6d: {  	_ =	shalt  }
0x6e: {  	_ =	shalt  }
0x6f: {  	_ =	shalt  }
0x70: {  	_ =	shalt  }
0x71: {  	_ =	shalt  }
0x72: {  	_ =	shalt  }
0x73: {  	_ =	shalt  }
0x74: {  	_ =	shalt  }
0x75: {  	_ =	shalt  }
0x76: {  	_ =	shalt  }
0x77: {  	_ =	shalt  }
0x78: {  	_ =	shalt  }
0x79: {  	_ =	shalt  }
0x7a: {  	_ =	shalt  }
0x7b: {  	_ =	shalt  }
0x7c: {  	_ =	shalt  }
0x7d: {  	_ =	shalt  }
0x7e: {  	_ =	shalt  }
0x7f: {  	_ =	shalt  }
0x80: {  	_ =	shalt  }
0x81: {  	_ =	shalt  }
0x82: {  	_ =	shalt  }
0x83: {  	_ =	shalt  }
0x84: {  	_ =	shalt  }
0x85: {  	_ =	shalt  }
0x86: {  	_ =	shalt  }
0x87: {  	_ =	shalt  }
.Lfunc_end0:
.L_simem_size_0:
called_computation_lowered:
.L_overlay_start_0:
0x88: {  	s2 =	sld [smem:$0x3FD9]  }
0x89: {  	s3 =	sld [smem:$0x3FFE];
	_ =	sdelay $0x1  }
0x8a: {  	s1 =	srdreg.scid  }
0x8b: {  	s0 =	sand.u32 $0x1, s1  }
0x8c: {  	s18 =	sshll.u32 s0, $0xA;
	s2 =	sadd.s32 s3, s2  }
0x8d: {  	s2 =	sadd.s32 s2, s18  }
0x8e: {  	[smem:$0x3FC6] =	sst s2  }
0x8f: {  	_ = 	snop  }
0x90: {  	s2 =	sld [smem:$0x3FC9]  }
0x91: {  	s19 =	sld [smem:$0x3FC8]  }
0x92: {  	s4 =	sld [smem:$0x3FD0];
	(tm) =	ssettm $0x1  }
0x93: {  	s5 =	sld [smem:$0x3FFB];
	_ =	sdelay $0x3  }
0x94: {  	_ =	strace s5  }
0x95: {  	s5 =	sld [smem:$0x3FFC];
	_ =	sdelay $0x3  }
0x96: {  	_ =	strace s5  }
0x97: {  	s5 =	sld [smem:$0x3FFD];
	_ =	sdelay $0x3  }
0x98: {  	_ =	strace s5  }
0x99: {  	_ =	strace $0x8FFFFFFF  }
0x9a: {  	s20 =	sld [smem:$0x3FDB];
	_ =	sdelay $0x1  }
0x9b: {  	s6 =	simm.s32 $_scs_section_size  }
0x9c: {  	s7 =	simm.s32 $_size__tile_overlayer_lowered;
	s8 =	simm.s32 $_tile_overlayer_lowered  }
0x9d: {  	s23 =	simm.s32 $0x1BFF;
	s22 =	sshll.u32 s8, $0x1;
	s5 =	sadd.s32 s6, s20  }
0x9e: {  	s9 =	simm.s32 $0x0;
	s21 =	sshll.u32 s7, $0x1;
	s7 =	sadd.s32 s22, s5  }
0x9f: {  	[timem:s9], [sflag:s23] =	dma.local [hbm:s7], s21  }
0xa0: {  	_ =	swait.ge [sflag:s23], s21  }
0xa1: {  	s6 =	ssub.s32 $0x0, s21;
	[sflag:s23] =	ssyncset.done $0x0  }
0xa2: {  	[sflag:s23] =	ssyncadd.s32 s6;
	_ =	sdelay $0x1  }
0xa3: {  	s24 =	simm.s32 $0x1B8B  }
0xa4: {  	_ =	swait.ge [sflag:s24], $0x1  }
0xa5: {  	[sflag:s24] =	ssyncset.done $0x0  }
0xa6: {  	s25 =	simm.s32 $0x1B8E;
	[sflag:s24] =	ssyncadd.s32 $0xFFFFFFFF  }
0xa7: {  	s26 =	simm.s32 $execute0_lowered;
	[smem:$0x3FD2] =	sst s25  }
0xa8: {  	s6 =	sshll.u32 s26, $0x1;
	_ =	strace $0x80000046;
	[dreg:$0x1] =	wrdreg $0xFFFFFFFF  }
0xa9: {  	s28 =	simm.s32 $_size_execute0_lowered;
	s5 =	sadd.s32 s5, s6;
	[dreg:$0x0] =	wrdreg $0x0  }
0xaa: {  	s6 =	sshll.u32 s28, $0x1;
	[dreg:$0x2] =	wrdreg s5  }
0xab: {  	[dreg:$0x3] =	wrdreg s6  }
0xac: {  	[dreg:$0x4] =	wrdreg $0xC0  }
0xad: {  	_ =	task [dreg:s9], $0x5FFFF  }
0xae: {  	[dreg:$0x1] =	wrdreg $0xFFFFFFFF  }
0xaf: {  	[dreg:$0x0] =	wrdreg $0x60  }
0xb0: {  	[dreg:$0x2] =	wrdreg s2  }
0xb1: {  	[dreg:$0x3] =	wrdreg s19  }
0xb2: {  	[dreg:$0x4] =	wrdreg s4  }
0xb3: {  	[dreg:$0x5] =	wrdreg $0x9  }
0xb4: {  	_ =	task.clear_ibuf [dreg:s9], $0x6FFFF;
	_ =	strace $0x90000046  }
0xb5: {  	s29 =	simm.s32 $0x9;
	_ =	strace $0x80000048  }
0xb6: {  	_ =	swait.ge [sflag:s29], $0x1  }
0xb7: {  	[sflag:s29] =	ssyncadd.s32 $0xFFFFFFFF  }
0xb8: {  	_ =	strace $0x90000048  }
0xb9: {  	_ =	sfence  }
0xba: {  	s30 =	sld [smem:$0x0];
	_ =	sdelay $0x2  }
0xbb: {  	s31 =	sshll.u32 s1, $0xD;
	s1 =	sshrl.u32 s1, $0x2  }
0xbc: {  	s3 =	sand.u32 $0x4000, s31;
	s1 =	sadd.s32 s1, s30  }
0xbd: {  	s0 =	sor.u32 s3, s0;
	s1 =	sshll.u32 s1, $0x11  }
0xbe: {  	s0 =	sor.u32 s1, s0  }
0xbf: {  	s0 =	sadd.s32 $0x8F2B, s0  }
0xc0: {  	[sflag:s0] =	ssyncadd.remote.s32 $0x1  }
0xc1: {  	_ =	sfence.sel $0xFFFF  }
0xc2: {  	[dreg:$0x0] =	wrdreg $0xFFFFFFFF;
	(pc) =	sbr.abs _section_cstart, $3  }
0xc3: {  	[dreg:$0x1] =	wrdreg $0xFFFFFFFF  }
0xc4: {  	_ =	task.clear_ibuf [dreg:s9], $0x2FFFF;
	_ =	strace $0x9FFFFFFF  }
0xc5: {  	(tm) =	ssettm $0x7FFFFFFF  }
tec
execute0_lowered:
.L_overlay_start_1:
0x0: {  	(tag) =	ssettag $0x1  }
0x1: {  	s0 =	rddreg [dreg:$0x0]  }
0x2: {  	s2 =	rddreg [dreg:$0x1]  }
0x3: {  	s1 =	rddreg [dreg:$0x2];
	s6 =	stileid.u32  }
0x4: {  	s4 =	srdreg.scid;
	s3 =	simm.s32 $0x0;
	s28 =	simm.s32 $0x80  }
0x5: {  	s5 =	sshll.u32 s6, $0x1;
	s4 =	sand.u32 $0x1, s4;
	s6 =	sshrl.u32 s6, $0x2  }
0x6: {  	[smem:$0x7FF] =	sst s3;
	s5 =	sand.u32 $0x6, s5;
	s8 =	sshll.u32 s6, $0x4  }
0x7: {  	s6 =	sshll.u32 s6, $0x13;
	_ =	strace $0x80000047;
	s5 =	sor.u32 s4, s5  }
0x8: {  	s0 =	sadd.s32 s0, s8;
	s7 =	sshll.u32 s5, $0x10;
	s5 =	sshll.u32 s5, $0x8  }
0x9: {  	[dreg:$0x14] =	wrdreg s28;
	s6 =	sor.u32 s6, s7;
	s0 =	sadd.s32 s5, s0  }
0xa: {  	s7 =	sadd.s32 s1, s6;
	[dreg:$0x4] =	wrdreg s0  }
0xb: {  	s11 =	sadd.s32 $0x1000, s7;
	[dreg:$0x15] =	wrdreg s7  }
0xc: {  	s12 =	sadd.s32 $0x2000, s7;
	[dreg:$0x5] =	wrdreg s11  }
0xd: {  	s29 =	simm.s32 $0x1;
	s13 =	sadd.s32 $0x3000, s7;
	[dreg:$0x6] =	wrdreg s12  }
0xe: {  	s30 =	simm.s32 $0x4;
	s14 =	sadd.s32 $0x4000, s7;
	[dreg:$0x7] =	wrdreg s13  }
0xf: {  	s31 =	simm.s32 $0x2;
	s15 =	sadd.s32 $0x5000, s7;
	[dreg:$0x8] =	wrdreg s14  }
0x10: {  	s10 =	simm.s32 $0x8200;
	s16 =	sadd.s32 $0x6000, s7;
	[dreg:$0x9] =	wrdreg s15  }
0x11: {  	s21 =	ssub.s32 $0x2, s4;
	s17 =	sadd.s32 $0x7000, s7;
	[dreg:$0xa] =	wrdreg s16  }
0x12: {  	s4 =	sshrl.u32 s21, $0x1;
	s18 =	sadd.s32 $0x8000, s7;
	[dreg:$0xb] =	wrdreg s17  }
0x13: {  	s5 =	sadd.s32 $0x100, s2;
	s19 =	sadd.s32 $0x9000, s7;
	[dreg:$0xc] =	wrdreg s18  }
0x14: {  	s1 =	ssub.s32 s21, s4;
	s20 =	sadd.s32 $0xA000, s7;
	[dreg:$0xd] =	wrdreg s19  }
0x15: {  	s6 =	sadd.s32 $0x200, s2;
	s22 =	sadd.s32 $0xB000, s7;
	[dreg:$0xe] =	wrdreg s20  }
0x16: {  	s0 =	simm.s32 $0x5;
	s23 =	sadd.s32 $0xC000, s7;
	[dreg:$0xf] =	wrdreg s22  }
0x17: {  	s4 =	simm.s32 $0x6;
	s24 =	sadd.s32 $0xD000, s7;
	[dreg:$0x10] =	wrdreg s23  }
0x18: {  	v2 =	vlaneseq.u32;
	s25 =	sadd.s32 $0xE000, s7;
	s26 =	sadd.s32 $0xF000, s7;
	[dreg:$0x11] =	wrdreg s24  }
0x19: {  	vm0 =	vmmov $0xffff;
	v1 =	vshrl.u32 v2, $0x3;
	s7 =	sadd.s32 $0x300, s2;
	s8 =	smax.u32 s1, $0x1;
	[dreg:$0x12] =	wrdreg s25  }
0x1a: {  	v0 =	vand.u32 $0x7, v2;
	v2 =	vor.u32 $0x8, v2;
	v1 =	vmul.u32 $0x8, v1;
	s1 =	simm.s32 $0x3;
	[dreg:$0x13] =	wrdreg s26;
	s24 =	simm.s32 $0x200  }
.LBB2_1:
0x1b: {  	s28 =	rddreg [dreg:$0x4]  }
0x1c: {  	s11 =	rddreg [dreg:$0x14];
	s16 =	simm.s32 $0x7  }
0x1d: {  	[tilespmem:s3], [sflag:$0x7] =	stream.strided.gather [hbm4b:s28+s11], $0x200, s24, s11, $0x38;
	[tilespmem:$0x18200] =	vst v63  }
0x1e: {  	_ =	swait.ge [sflag:s16], $0x200  }
0x1f: {  	[sflag:s16] =	ssyncset.done $0x0  }
0x20: {  	[sflag:s16] =	ssyncadd.s32 $0xFFFFFE00  }
0x21: {  	v3 =	vld [tilespmem:$0x0];
	_ =	sdelay $0x4  }
0x22: {  	v4 =	vshll.u32 v3, $0x3  }
0x23: {  	v3 =	vand.u32 $0x7, v3;
	v4 =	vand.u32 $0xFFFFFFC0, v4  }
0x24: {  	v3 =	vor.u32 v3, v4  }
0x25: {  	v4 =	vperm.xlane v3, v0;
	_ =	sdelay $0x1  }
0x26: {  	v4 =	vadd.s32 v1, v4;
	_ =	sdelay $0x4  }
0x27: {  	[tilespmem:s24], [sflag:$0x1] =	stream.indirect_vreg.gather [hbm4b:s2+s3], $0x80, v4, vm0, $0xb8;
	[tilespmem:$0x18200] =	vst v63  }
0x28: {  	s17 =	simm.s32 $0xA00;
	v3 =	vperm.xlane v3, v2  }
0x29: {  	[tilespmem:s17], [sflag:$0x1] =	stream.indirect_vreg.gather [hbm4b:s5+s3], $0x80, v4, vm0, $0xb8;
	[tilespmem:$0x18200] =	vst v63  }
0x2a: {  	s18 =	simm.s32 $0x1200;
	v3 =	vadd.s32 v1, v3  }
0x2b: {  	[tilespmem:s18], [sflag:$0x1] =	stream.indirect_vreg.gather [hbm4b:s6+s3], $0x80, v4, vm0, $0xb8;
	[tilespmem:$0x18200] =	vst v63  }
0x2c: {  	s19 =	simm.s32 $0x1A00  }
0x2d: {  	[tilespmem:s19], [sflag:$0x1] =	stream.indirect_vreg.gather [hbm4b:s7+s3], $0x80, v4, vm0, $0xb8;
	[tilespmem:$0x18200] =	vst v63  }
0x2e: {  	s21 =	simm.s32 $0x2200  }
0x2f: {  	[tilespmem:s21], [sflag:$0x1] =	stream.indirect_vreg.gather [hbm4b:s2+s3], $0x80, v3, vm0, $0xb8;
	[tilespmem:$0x18200] =	vst v63  }
0x30: {  	s22 =	simm.s32 $0x2A00  }
0x31: {  	[tilespmem:s22], [sflag:$0x1] =	stream.indirect_vreg.gather [hbm4b:s5+s3], $0x80, v3, vm0, $0xb8;
	[tilespmem:$0x18200] =	vst v63  }
0x32: {  	s23 =	simm.s32 $0x3200  }
0x33: {  	[tilespmem:s23], [sflag:$0x1] =	stream.indirect_vreg.gather [hbm4b:s6+s3], $0x80, v3, vm0, $0xb8;
	[tilespmem:$0x18200] =	vst v63  }
0x34: {  	s25 =	simm.s32 $0x3A00  }
0x35: {  	[tilespmem:s25], [sflag:$0x1] =	stream.indirect_vreg.gather [hbm4b:s7+s3], $0x80, v3, vm0, $0xb8;
	[tilespmem:$0x18200] =	vst v63  }
0x36: {  	v3 =	vld [tilespmem:$0x10];
	_ =	sdelay $0x4  }
0x37: {  	v33 =	vshll.u32 v3, $0x3  }
0x38: {  	v3 =	vand.u32 $0x7, v3;
	v4 =	vand.u32 $0xFFFFFFC0, v33  }
0x39: {  	v3 =	vor.u32 v3, v4  }
0x3a: {  	v4 =	vperm.xlane v3, v0;
	_ =	sdelay $0x1  }
0x3b: {  	v4 =	vadd.s32 v1, v4;
	_ =	sdelay $0x3  }
0x3c: {  	s9 =	simm.s32 $0x4200  }
0x3d: {  	[tilespmem:s9], [sflag:$0x1] =	stream.indirect_vreg.gather [hbm4b:s2+s3], $0x80, v4, vm0, $0xb8;
	[tilespmem:$0x18200] =	vst v63  }
0x3e: {  	s15 =	simm.s32 $0x4A00;
	v3 =	vperm.xlane v3, v2  }
0x3f: {  	[tilespmem:s15], [sflag:$0x1] =	stream.indirect_vreg.gather [hbm4b:s5+s3], $0x80, v4, vm0, $0xb8;
	[tilespmem:$0x18200] =	vst v63  }
0x40: {  	s16 =	simm.s32 $0x5200;
	v3 =	vadd.s32 v1, v3  }
0x41: {  	[tilespmem:s16], [sflag:$0x1] =	stream.indirect_vreg.gather [hbm4b:s6+s3], $0x80, v4, vm0, $0xb8;
	[tilespmem:$0x18200] =	vst v63  }
0x42: {  	s17 =	simm.s32 $0x5A00  }
0x43: {  	[tilespmem:s17], [sflag:$0x1] =	stream.indirect_vreg.gather [hbm4b:s7+s3], $0x80, v4, vm0, $0xb8;
	[tilespmem:$0x18200] =	vst v63  }
0x44: {  	s18 =	simm.s32 $0x6200  }
0x45: {  	[tilespmem:s18], [sflag:$0x1] =	stream.indirect_vreg.gather [hbm4b:s2+s3], $0x80, v3, vm0, $0xb8;
	[tilespmem:$0x18200] =	vst v63  }
0x46: {  	s19 =	simm.s32 $0x6A00  }
0x47: {  	[tilespmem:s19], [sflag:$0x1] =	stream.indirect_vreg.gather [hbm4b:s5+s3], $0x80, v3, vm0, $0xb8;
	[tilespmem:$0x18200] =	vst v63  }
0x48: {  	s25 =	simm.s32 $0x7200  }
0x49: {  	[tilespmem:s25], [sflag:$0x1] =	stream.indirect_vreg.gather [hbm4b:s6+s3], $0x80, v3, vm0, $0xb8;
	[tilespmem:$0x18200] =	vst v63  }
0x4a: {  	s9 =	simm.s32 $0x7A00  }
0x4b: {  	[tilespmem:s9], [sflag:$0x1] =	stream.indirect_vreg.gather [hbm4b:s7+s3], $0x80, v3, vm0, $0xb8;
	[tilespmem:$0x18200] =	vst v63  }
0x4c: {  	v3 =	vld [tilespmem:$0x20];
	_ =	sdelay $0x4  }
0x4d: {  	v34 =	vshll.u32 v3, $0x3  }
0x4e: {  	v3 =	vand.u32 $0x7, v3;
	v4 =	vand.u32 $0xFFFFFFC0, v34  }
0x4f: {  	v3 =	vor.u32 v3, v4  }
0x50: {  	v4 =	vperm.xlane v3, v0;
	_ =	sdelay $0x1  }
0x51: {  	v4 =	vadd.s32 v1, v4;
	_ =	sdelay $0x4  }
0x52: {  	[tilespmem:s10], [sflag:$0x2] =	stream.indirect_vreg.gather [hbm4b:s2+s3], $0x80, v4, vm0, $0xb8;
	[tilespmem:$0x18200] =	vst v63  }
0x53: {  	s9 =	simm.s32 $0x8A00;
	v3 =	vperm.xlane v3, v2  }
0x54: {  	[tilespmem:s9], [sflag:$0x2] =	stream.indirect_vreg.gather [hbm4b:s5+s3], $0x80, v4, vm0, $0xb8;
	[tilespmem:$0x18200] =	vst v63  }
0x55: {  	s11 =	simm.s32 $0x9200;
	v3 =	vadd.s32 v1, v3  }
0x56: {  	[tilespmem:s11], [sflag:$0x2] =	stream.indirect_vreg.gather [hbm4b:s6+s3], $0x80, v4, vm0, $0xb8;
	[tilespmem:$0x18200] =	vst v63  }
0x57: {  	s11 =	simm.s32 $0x9A00  }
0x58: {  	[tilespmem:s11], [sflag:$0x2] =	stream.indirect_vreg.gather [hbm4b:s7+s3], $0x80, v4, vm0, $0xb8;
	[tilespmem:$0x18200] =	vst v63  }
0x59: {  	s11 =	simm.s32 $0xA200  }
0x5a: {  	[tilespmem:s11], [sflag:$0x2] =	stream.indirect_vreg.gather [hbm4b:s2+s3], $0x80, v3, vm0, $0xb8;
	[tilespmem:$0x18200] =	vst v63  }
0x5b: {  	s11 =	simm.s32 $0xAA00  }
0x5c: {  	[tilespmem:s11], [sflag:$0x2] =	stream.indirect_vreg.gather [hbm4b:s5+s3], $0x80, v3, vm0, $0xb8;
	[tilespmem:$0x18200] =	vst v63  }
0x5d: {  	s11 =	simm.s32 $0xB200  }
0x5e: {  	[tilespmem:s11], [sflag:$0x2] =	stream.indirect_vreg.gather [hbm4b:s6+s3], $0x80, v3, vm0, $0xb8;
	[tilespmem:$0x18200] =	vst v63  }
0x5f: {  	s11 =	simm.s32 $0xBA00  }
0x60: {  	[tilespmem:s11], [sflag:$0x2] =	stream.indirect_vreg.gather [hbm4b:s7+s3], $0x80, v3, vm0, $0xb8;
	[tilespmem:$0x18200] =	vst v63  }
0x61: {  	v3 =	vld [tilespmem:$0x30];
	_ =	sdelay $0x4  }
0x62: {  	v35 =	vshll.u32 v3, $0x3  }
0x63: {  	v3 =	vand.u32 $0x7, v3;
	v4 =	vand.u32 $0xFFFFFFC0, v35  }
0x64: {  	v3 =	vor.u32 v3, v4  }
0x65: {  	v4 =	vperm.xlane v3, v0;
	_ =	sdelay $0x1  }
0x66: {  	v4 =	vadd.s32 v1, v4;
	_ =	sdelay $0x3  }
0x67: {  	s11 =	simm.s32 $0xC200  }
0x68: {  	[tilespmem:s11], [sflag:$0x2] =	stream.indirect_vreg.gather [hbm4b:s2+s3], $0x80, v4, vm0, $0xb8;
	[tilespmem:$0x18200] =	vst v63  }
0x69: {  	v3 =	vperm.xlane v3, v2;
	s11 =	simm.s32 $0xCA00  }
0x6a: {  	[tilespmem:s11], [sflag:$0x2] =	stream.indirect_vreg.gather [hbm4b:s5+s3], $0x80, v4, vm0, $0xb8;
	[tilespmem:$0x18200] =	vst v63  }
0x6b: {  	v3 =	vadd.s32 v1, v3;
	s11 =	simm.s32 $0xD200  }
0x6c: {  	[tilespmem:s11], [sflag:$0x2] =	stream.indirect_vreg.gather [hbm4b:s6+s3], $0x80, v4, vm0, $0xb8;
	[tilespmem:$0x18200] =	vst v63  }
0x6d: {  	s11 =	simm.s32 $0xDA00  }
0x6e: {  	[tilespmem:s11], [sflag:$0x2] =	stream.indirect_vreg.gather [hbm4b:s7+s3], $0x80, v4, vm0, $0xb8;
	[tilespmem:$0x18200] =	vst v63  }
0x6f: {  	s11 =	simm.s32 $0xE200  }
0x70: {  	[tilespmem:s11], [sflag:$0x2] =	stream.indirect_vreg.gather [hbm4b:s2+s3], $0x80, v3, vm0, $0xb8;
	[tilespmem:$0x18200] =	vst v63  }
0x71: {  	s11 =	simm.s32 $0xEA00  }
0x72: {  	[tilespmem:s11], [sflag:$0x2] =	stream.indirect_vreg.gather [hbm4b:s5+s3], $0x80, v3, vm0, $0xb8;
	[tilespmem:$0x18200] =	vst v63  }
0x73: {  	s11 =	simm.s32 $0xF200  }
0x74: {  	[tilespmem:s11], [sflag:$0x2] =	stream.indirect_vreg.gather [hbm4b:s6+s3], $0x80, v3, vm0, $0xb8;
	[tilespmem:$0x18200] =	vst v63  }
0x75: {  	s11 =	simm.s32 $0xFA00  }
0x76: {  	[tilespmem:s11], [sflag:$0x2] =	stream.indirect_vreg.gather [hbm4b:s7+s3], $0x80, v3, vm0, $0xb8;
	[tilespmem:$0x18200] =	vst v63  }
0x77: {  	v3 =	vld [tilespmem:$0x40];
	_ =	sdelay $0x4  }
0x78: {  	v36 =	vshll.u32 v3, $0x3  }
0x79: {  	v3 =	vand.u32 $0x7, v3;
	v4 =	vand.u32 $0xFFFFFFC0, v36  }
0x7a: {  	v3 =	vor.u32 v3, v4  }
0x7b: {  	v4 =	vperm.xlane v3, v0;
	_ =	sdelay $0x1  }
0x7c: {  	v4 =	vadd.s32 v1, v4;
	_ =	sdelay $0x3  }
0x7d: {  	s9 =	simm.s32 $0x10200  }
0x7e: {  	[tilespmem:s9], [sflag:$0x3] =	stream.indirect_vreg.gather [hbm4b:s2+s3], $0x80, v4, vm0, $0xb8;
	[tilespmem:$0x18200] =	vst v63  }
0x7f: {  	s11 =	simm.s32 $0x10A00;
	v3 =	vperm.xlane v3, v2  }
0x80: {  	[tilespmem:s11], [sflag:$0x3] =	stream.indirect_vreg.gather [hbm4b:s5+s3], $0x80, v4, vm0, $0xb8;
	[tilespmem:$0x18200] =	vst v63  }
0x81: {  	v3 =	vadd.s32 v1, v3;
	s11 =	simm.s32 $0x11200  }
0x82: {  	[tilespmem:s11], [sflag:$0x3] =	stream.indirect_vreg.gather [hbm4b:s6+s3], $0x80, v4, vm0, $0xb8;
	[tilespmem:$0x18200] =	vst v63  }
0x83: {  	s11 =	simm.s32 $0x11A00  }
0x84: {  	[tilespmem:s11], [sflag:$0x3] =	stream.indirect_vreg.gather [hbm4b:s7+s3], $0x80, v4, vm0, $0xb8;
	[tilespmem:$0x18200] =	vst v63  }
0x85: {  	s11 =	simm.s32 $0x12200  }
0x86: {  	[tilespmem:s11], [sflag:$0x3] =	stream.indirect_vreg.gather [hbm4b:s2+s3], $0x80, v3, vm0, $0xb8;
	[tilespmem:$0x18200] =	vst v63  }
0x87: {  	s11 =	simm.s32 $0x12A00  }
0x88: {  	[tilespmem:s11], [sflag:$0x3] =	stream.indirect_vreg.gather [hbm4b:s5+s3], $0x80, v3, vm0, $0xb8;
	[tilespmem:$0x18200] =	vst v63  }
0x89: {  	s11 =	simm.s32 $0x13200  }
0x8a: {  	[tilespmem:s11], [sflag:$0x3] =	stream.indirect_vreg.gather [hbm4b:s6+s3], $0x80, v3, vm0, $0xb8;
	[tilespmem:$0x18200] =	vst v63  }
0x8b: {  	s11 =	simm.s32 $0x13A00  }
0x8c: {  	[tilespmem:s11], [sflag:$0x3] =	stream.indirect_vreg.gather [hbm4b:s7+s3], $0x80, v3, vm0, $0xb8;
	[tilespmem:$0x18200] =	vst v63  }
0x8d: {  	v3 =	vld [tilespmem:$0x50];
	_ =	sdelay $0x4  }
0x8e: {  	v37 =	vshll.u32 v3, $0x3  }
0x8f: {  	v3 =	vand.u32 $0x7, v3;
	v4 =	vand.u32 $0xFFFFFFC0, v37  }
0x90: {  	v3 =	vor.u32 v3, v4  }
0x91: {  	v4 =	vperm.xlane v3, v0;
	_ =	sdelay $0x1  }
0x92: {  	v4 =	vadd.s32 v1, v4;
	_ =	sdelay $0x3  }
0x93: {  	s11 =	simm.s32 $0x14200  }
0x94: {  	[tilespmem:s11], [sflag:$0x3] =	stream.indirect_vreg.gather [hbm4b:s2+s3], $0x80, v4, vm0, $0xb8;
	[tilespmem:$0x18200] =	vst v63  }
0x95: {  	v3 =	vperm.xlane v3, v2;
	s11 =	simm.s32 $0x14A00  }
0x96: {  	[tilespmem:s11], [sflag:$0x3] =	stream.indirect_vreg.gather [hbm4b:s5+s3], $0x80, v4, vm0, $0xb8;
	[tilespmem:$0x18200] =	vst v63  }
0x97: {  	v3 =	vadd.s32 v1, v3;
	s11 =	simm.s32 $0x15200  }
0x98: {  	[tilespmem:s11], [sflag:$0x3] =	stream.indirect_vreg.gather [hbm4b:s6+s3], $0x80, v4, vm0, $0xb8;
	[tilespmem:$0x18200] =	vst v63  }
0x99: {  	s11 =	simm.s32 $0x15A00  }
0x9a: {  	[tilespmem:s11], [sflag:$0x3] =	stream.indirect_vreg.gather [hbm4b:s7+s3], $0x80, v4, vm0, $0xb8;
	[tilespmem:$0x18200] =	vst v63  }
0x9b: {  	s11 =	simm.s32 $0x16200  }
0x9c: {  	[tilespmem:s11], [sflag:$0x3] =	stream.indirect_vreg.gather [hbm4b:s2+s3], $0x80, v3, vm0, $0xb8;
	[tilespmem:$0x18200] =	vst v63  }
0x9d: {  	s11 =	simm.s32 $0x16A00  }
0x9e: {  	[tilespmem:s11], [sflag:$0x3] =	stream.indirect_vreg.gather [hbm4b:s5+s3], $0x80, v3, vm0, $0xb8;
	[tilespmem:$0x18200] =	vst v63  }
0x9f: {  	s11 =	simm.s32 $0x17200  }
0xa0: {  	[tilespmem:s11], [sflag:$0x3] =	stream.indirect_vreg.gather [hbm4b:s6+s3], $0x80, v3, vm0, $0xb8;
	[tilespmem:$0x18200] =	vst v63  }
0xa1: {  	s11 =	simm.s32 $0x17A00  }
0xa2: {  	[tilespmem:s11], [sflag:$0x3] =	stream.indirect_vreg.gather [hbm4b:s7+s3], $0x80, v3, vm0, $0xb8;
	[tilespmem:$0x18200] =	vst v63  }
0xa3: {  	_ =	swait.ge [sflag:s29], $0x8000  }
0xa4: {  	[sflag:s29] =	ssyncset.done $0x0  }
0xa5: {  	s11 =	rddreg [dreg:$0x15];
	[sflag:s29] =	ssyncadd.s32 $0xFFFF8000  }
0xa6: {  	[hbm4b:s11+s3] =	stream.linear.scatter [tilespmem:s24], [sflag:$0x4], $0x8000, $0x38;
	[tilespmem:$0x18200] =	vst v63  }
0xa7: {  	_ =	swait.ge [sflag:s30], $0x8000  }
0xa8: {  	[sflag:s30] =	ssyncset.done $0x0  }
0xa9: {  	[sflag:s30] =	ssyncadd.s32 $0xFFFF8000  }
0xaa: {  	v3 =	vld [tilespmem:$0x60];
	_ =	sdelay $0x4  }
0xab: {  	v38 =	vshll.u32 v3, $0x3  }
0xac: {  	v3 =	vand.u32 $0x7, v3;
	v4 =	vand.u32 $0xFFFFFFC0, v38  }
0xad: {  	v3 =	vor.u32 v3, v4  }
0xae: {  	v4 =	vperm.xlane v3, v0;
	_ =	sdelay $0x1  }
0xaf: {  	v4 =	vadd.s32 v1, v4;
	_ =	sdelay $0x4  }
0xb0: {  	[tilespmem:s24], [sflag:$0x1] =	stream.indirect_vreg.gather [hbm4b:s2+s3], $0x80, v4, vm0, $0xb8;
	[tilespmem:$0x18200] =	vst v63  }
0xb1: {  	s26 =	simm.s32 $0xA00;
	v3 =	vperm.xlane v3, v2  }
0xb2: {  	[tilespmem:s26], [sflag:$0x1] =	stream.indirect_vreg.gather [hbm4b:s5+s3], $0x80, v4, vm0, $0xb8;
	[tilespmem:$0x18200] =	vst v63  }
0xb3: {  	s20 =	simm.s32 $0x1200;
	v3 =	vadd.s32 v1, v3  }
0xb4: {  	[tilespmem:s20], [sflag:$0x1] =	stream.indirect_vreg.gather [hbm4b:s6+s3], $0x80, v4, vm0, $0xb8;
	[tilespmem:$0x18200] =	vst v63  }
0xb5: {  	s28 =	simm.s32 $0x1A00  }
0xb6: {  	[tilespmem:s28], [sflag:$0x1] =	stream.indirect_vreg.gather [hbm4b:s7+s3], $0x80, v4, vm0, $0xb8;
	[tilespmem:$0x18200] =	vst v63  }
0xb7: {  	s12 =	simm.s32 $0x2200  }
0xb8: {  	[tilespmem:s12], [sflag:$0x1] =	stream.indirect_vreg.gather [hbm4b:s2+s3], $0x80, v3, vm0, $0xb8;
	[tilespmem:$0x18200] =	vst v63  }
0xb9: {  	s13 =	simm.s32 $0x2A00  }
0xba: {  	[tilespmem:s13], [sflag:$0x1] =	stream.indirect_vreg.gather [hbm4b:s5+s3], $0x80, v3, vm0, $0xb8;
	[tilespmem:$0x18200] =	vst v63  }
0xbb: {  	s14 =	simm.s32 $0x3200  }
0xbc: {  	[tilespmem:s14], [sflag:$0x1] =	stream.indirect_vreg.gather [hbm4b:s6+s3], $0x80, v3, vm0, $0xb8;
	[tilespmem:$0x18200] =	vst v63  }
0xbd: {  	s21 =	simm.s32 $0x3A00  }
0xbe: {  	[tilespmem:s21], [sflag:$0x1] =	stream.indirect_vreg.gather [hbm4b:s7+s3], $0x80, v3, vm0, $0xb8;
	[tilespmem:$0x18200] =	vst v63  }
0xbf: {  	v3 =	vld [tilespmem:$0x70];
	_ =	sdelay $0x4  }
0xc0: {  	v39 =	vshll.u32 v3, $0x3  }
0xc1: {  	v3 =	vand.u32 $0x7, v3;
	v4 =	vand.u32 $0xFFFFFFC0, v39  }
0xc2: {  	v3 =	vor.u32 v3, v4  }
0xc3: {  	v4 =	vperm.xlane v3, v0;
	_ =	sdelay $0x1  }
0xc4: {  	v4 =	vadd.s32 v1, v4;
	_ =	sdelay $0x3  }
0xc5: {  	s22 =	simm.s32 $0x4200  }
0xc6: {  	[tilespmem:s22], [sflag:$0x1] =	stream.indirect_vreg.gather [hbm4b:s2+s3], $0x80, v4, vm0, $0xb8;
	[tilespmem:$0x18200] =	vst v63  }
0xc7: {  	s23 =	simm.s32 $0x4A00;
	v3 =	vperm.xlane v3, v2  }
0xc8: {  	[tilespmem:s23], [sflag:$0x1] =	stream.indirect_vreg.gather [hbm4b:s5+s3], $0x80, v4, vm0, $0xb8;
	[tilespmem:$0x18200] =	vst v63  }
0xc9: {  	s15 =	simm.s32 $0x5200;
	v3 =	vadd.s32 v1, v3  }
0xca: {  	[tilespmem:s15], [sflag:$0x1] =	stream.indirect_vreg.gather [hbm4b:s6+s3], $0x80, v4, vm0, $0xb8;
	[tilespmem:$0x18200] =	vst v63  }
0xcb: {  	s16 =	simm.s32 $0x5A00  }
0xcc: {  	[tilespmem:s16], [sflag:$0x1] =	stream.indirect_vreg.gather [hbm4b:s7+s3], $0x80, v4, vm0, $0xb8;
	[tilespmem:$0x18200] =	vst v63  }
0xcd: {  	s17 =	simm.s32 $0x6200  }
0xce: {  	[tilespmem:s17], [sflag:$0x1] =	stream.indirect_vreg.gather [hbm4b:s2+s3], $0x80, v3, vm0, $0xb8;
	[tilespmem:$0x18200] =	vst v63  }
0xcf: {  	s18 =	simm.s32 $0x6A00  }
0xd0: {  	[tilespmem:s18], [sflag:$0x1] =	stream.indirect_vreg.gather [hbm4b:s5+s3], $0x80, v3, vm0, $0xb8;
	[tilespmem:$0x18200] =	vst v63  }
0xd1: {  	s19 =	simm.s32 $0x7200  }
0xd2: {  	[tilespmem:s19], [sflag:$0x1] =	stream.indirect_vreg.gather [hbm4b:s6+s3], $0x80, v3, vm0, $0xb8;
	[tilespmem:$0x18200] =	vst v63  }
0xd3: {  	s25 =	simm.s32 $0x7A00  }
0xd4: {  	[tilespmem:s25], [sflag:$0x1] =	stream.indirect_vreg.gather [hbm4b:s7+s3], $0x80, v3, vm0, $0xb8;
	[tilespmem:$0x18200] =	vst v63  }
0xd5: {  	_ =	swait.ge [sflag:s31], $0x8000  }
0xd6: {  	[sflag:s31] =	ssyncset.done $0x0  }
0xd7: {  	s26 =	rddreg [dreg:$0x5];
	[sflag:s31] =	ssyncadd.s32 $0xFFFF8000  }
0xd8: {  	[hbm4b:s26+s3] =	stream.linear.scatter [tilespmem:s10], [sflag:$0x5], $0x8000, $0x38;
	[tilespmem:$0x18200] =	vst v63  }
0xd9: {  	_ =	swait.ge [sflag:s0], $0x8000  }
0xda: {  	[sflag:s0] =	ssyncset.done $0x0  }
0xdb: {  	[sflag:s0] =	ssyncadd.s32 $0xFFFF8000  }
0xdc: {  	v3 =	vld [tilespmem:$0x80];
	_ =	sdelay $0x4  }
0xdd: {  	v40 =	vshll.u32 v3, $0x3  }
0xde: {  	v3 =	vand.u32 $0x7, v3;
	v4 =	vand.u32 $0xFFFFFFC0, v40  }
0xdf: {  	v3 =	vor.u32 v3, v4  }
0xe0: {  	v4 =	vperm.xlane v3, v0;
	_ =	sdelay $0x1  }
0xe1: {  	v4 =	vadd.s32 v1, v4;
	_ =	sdelay $0x4  }
0xe2: {  	[tilespmem:s10], [sflag:$0x2] =	stream.indirect_vreg.gather [hbm4b:s2+s3], $0x80, v4, vm0, $0xb8;
	[tilespmem:$0x18200] =	vst v63  }
0xe3: {  	s26 =	simm.s32 $0x8A00;
	v3 =	vperm.xlane v3, v2  }
0xe4: {  	[tilespmem:s26], [sflag:$0x2] =	stream.indirect_vreg.gather [hbm4b:s5+s3], $0x80, v4, vm0, $0xb8;
	[tilespmem:$0x18200] =	vst v63  }
0xe5: {  	s25 =	simm.s32 $0x9200;
	v3 =	vadd.s32 v1, v3  }
0xe6: {  	[tilespmem:s25], [sflag:$0x2] =	stream.indirect_vreg.gather [hbm4b:s6+s3], $0x80, v4, vm0, $0xb8;
	[tilespmem:$0x18200] =	vst v63  }
0xe7: {  	s12 =	simm.s32 $0x9A00  }
0xe8: {  	[tilespmem:s12], [sflag:$0x2] =	stream.indirect_vreg.gather [hbm4b:s7+s3], $0x80, v4, vm0, $0xb8;
	[tilespmem:$0x18200] =	vst v63  }
0xe9: {  	s13 =	simm.s32 $0xA200  }
0xea: {  	[tilespmem:s13], [sflag:$0x2] =	stream.indirect_vreg.gather [hbm4b:s2+s3], $0x80, v3, vm0, $0xb8;
	[tilespmem:$0x18200] =	vst v63  }
0xeb: {  	s14 =	simm.s32 $0xAA00  }
0xec: {  	[tilespmem:s14], [sflag:$0x2] =	stream.indirect_vreg.gather [hbm4b:s5+s3], $0x80, v3, vm0, $0xb8;
	[tilespmem:$0x18200] =	vst v63  }
0xed: {  	s15 =	simm.s32 $0xB200  }
0xee: {  	[tilespmem:s15], [sflag:$0x2] =	stream.indirect_vreg.gather [hbm4b:s6+s3], $0x80, v3, vm0, $0xb8;
	[tilespmem:$0x18200] =	vst v63  }
0xef: {  	s21 =	simm.s32 $0xBA00  }
0xf0: {  	[tilespmem:s21], [sflag:$0x2] =	stream.indirect_vreg.gather [hbm4b:s7+s3], $0x80, v3, vm0, $0xb8;
	[tilespmem:$0x18200] =	vst v63  }
0xf1: {  	v3 =	vld [tilespmem:$0x90];
	_ =	sdelay $0x4  }
0xf2: {  	v41 =	vshll.u32 v3, $0x3  }
0xf3: {  	v3 =	vand.u32 $0x7, v3;
	v4 =	vand.u32 $0xFFFFFFC0, v41  }
0xf4: {  	v3 =	vor.u32 v3, v4  }
0xf5: {  	v4 =	vperm.xlane v3, v0;
	_ =	sdelay $0x1  }
0xf6: {  	v4 =	vadd.s32 v1, v4;
	_ =	sdelay $0x3  }
0xf7: {  	s22 =	simm.s32 $0xC200  }
0xf8: {  	[tilespmem:s22], [sflag:$0x2] =	stream.indirect_vreg.gather [hbm4b:s2+s3], $0x80, v4, vm0, $0xb8;
	[tilespmem:$0x18200] =	vst v63  }
0xf9: {  	s23 =	simm.s32 $0xCA00;
	v3 =	vperm.xlane v3, v2  }
0xfa: {  	[tilespmem:s23], [sflag:$0x2] =	stream.indirect_vreg.gather [hbm4b:s5+s3], $0x80, v4, vm0, $0xb8;
	[tilespmem:$0x18200] =	vst v63  }
0xfb: {  	s16 =	simm.s32 $0xD200;
	v3 =	vadd.s32 v1, v3  }
0xfc: {  	[tilespmem:s16], [sflag:$0x2] =	stream.indirect_vreg.gather [hbm4b:s6+s3], $0x80, v4, vm0, $0xb8;
	[tilespmem:$0x18200] =	vst v63  }
0xfd: {  	s17 =	simm.s32 $0xDA00  }
0xfe: {  	[tilespmem:s17], [sflag:$0x2] =	stream.indirect_vreg.gather [hbm4b:s7+s3], $0x80, v4, vm0, $0xb8;
	[tilespmem:$0x18200] =	vst v63  }
0xff: {  	s18 =	simm.s32 $0xE200  }
0x100: {  	[tilespmem:s18], [sflag:$0x2] =	stream.indirect_vreg.gather [hbm4b:s2+s3], $0x80, v3, vm0, $0xb8;
	[tilespmem:$0x18200] =	vst v63  }
0x101: {  	s19 =	simm.s32 $0xEA00  }
0x102: {  	[tilespmem:s19], [sflag:$0x2] =	stream.indirect_vreg.gather [hbm4b:s5+s3], $0x80, v3, vm0, $0xb8;
	[tilespmem:$0x18200] =	vst v63  }
0x103: {  	s20 =	simm.s32 $0xF200  }
0x104: {  	[tilespmem:s20], [sflag:$0x2] =	stream.indirect_vreg.gather [hbm4b:s6+s3], $0x80, v3, vm0, $0xb8;
	[tilespmem:$0x18200] =	vst v63  }
0x105: {  	s11 =	simm.s32 $0xFA00  }
0x106: {  	[tilespmem:s11], [sflag:$0x2] =	stream.indirect_vreg.gather [hbm4b:s7+s3], $0x80, v3, vm0, $0xb8;
	[tilespmem:$0x18200] =	vst v63  }
0x107: {  	_ =	swait.ge [sflag:s1], $0x8000  }
0x108: {  	[sflag:s1] =	ssyncset.done $0x0  }
0x109: {  	s11 =	rddreg [dreg:$0x6];
	[sflag:s1] =	ssyncadd.s32 $0xFFFF8000  }
0x10a: {  	[hbm4b:s11+s3] =	stream.linear.scatter [tilespmem:s9], [sflag:$0x6], $0x8000, $0x38;
	[tilespmem:$0x18200] =	vst v63  }
0x10b: {  	_ =	swait.ge [sflag:s4], $0x8000  }
0x10c: {  	[sflag:s4] =	ssyncset.done $0x0  }
0x10d: {  	[sflag:s4] =	ssyncadd.s32 $0xFFFF8000  }
0x10e: {  	v3 =	vld [tilespmem:$0xA0];
	_ =	sdelay $0x4  }
0x10f: {  	v42 =	vshll.u32 v3, $0x3  }
0x110: {  	v3 =	vand.u32 $0x7, v3;
	v4 =	vand.u32 $0xFFFFFFC0, v42  }
0x111: {  	v3 =	vor.u32 v3, v4  }
0x112: {  	v4 =	vperm.xlane v3, v0;
	_ =	sdelay $0x1  }
0x113: {  	v4 =	vadd.s32 v1, v4;
	_ =	sdelay $0x4  }
0x114: {  	[tilespmem:s9], [sflag:$0x3] =	stream.indirect_vreg.gather [hbm4b:s2+s3], $0x80, v4, vm0, $0xb8;
	[tilespmem:$0x18200] =	vst v63  }
0x115: {  	s11 =	simm.s32 $0x10A00;
	v3 =	vperm.xlane v3, v2  }
0x116: {  	[tilespmem:s11], [sflag:$0x3] =	stream.indirect_vreg.gather [hbm4b:s5+s3], $0x80, v4, vm0, $0xb8;
	[tilespmem:$0x18200] =	vst v63  }
0x117: {  	v3 =	vadd.s32 v1, v3;
	s11 =	simm.s32 $0x11200  }
0x118: {  	[tilespmem:s11], [sflag:$0x3] =	stream.indirect_vreg.gather [hbm4b:s6+s3], $0x80, v4, vm0, $0xb8;
	[tilespmem:$0x18200] =	vst v63  }
0x119: {  	s11 =	simm.s32 $0x11A00  }
0x11a: {  	[tilespmem:s11], [sflag:$0x3] =	stream.indirect_vreg.gather [hbm4b:s7+s3], $0x80, v4, vm0, $0xb8;
	[tilespmem:$0x18200] =	vst v63  }
0x11b: {  	s11 =	simm.s32 $0x12200  }
0x11c: {  	[tilespmem:s11], [sflag:$0x3] =	stream.indirect_vreg.gather [hbm4b:s2+s3], $0x80, v3, vm0, $0xb8;
	[tilespmem:$0x18200] =	vst v63  }
0x11d: {  	s11 =	simm.s32 $0x12A00  }
0x11e: {  	[tilespmem:s11], [sflag:$0x3] =	stream.indirect_vreg.gather [hbm4b:s5+s3], $0x80, v3, vm0, $0xb8;
	[tilespmem:$0x18200] =	vst v63  }
0x11f: {  	s11 =	simm.s32 $0x13200  }
0x120: {  	[tilespmem:s11], [sflag:$0x3] =	stream.indirect_vreg.gather [hbm4b:s6+s3], $0x80, v3, vm0, $0xb8;
	[tilespmem:$0x18200] =	vst v63  }
0x121: {  	s11 =	simm.s32 $0x13A00  }
0x122: {  	[tilespmem:s11], [sflag:$0x3] =	stream.indirect_vreg.gather [hbm4b:s7+s3], $0x80, v3, vm0, $0xb8;
	[tilespmem:$0x18200] =	vst v63  }
0x123: {  	v3 =	vld [tilespmem:$0xB0];
	_ =	sdelay $0x4  }
0x124: {  	v43 =	vshll.u32 v3, $0x3  }
0x125: {  	v3 =	vand.u32 $0x7, v3;
	v4 =	vand.u32 $0xFFFFFFC0, v43  }
0x126: {  	v3 =	vor.u32 v3, v4  }
0x127: {  	v4 =	vperm.xlane v3, v0;
	_ =	sdelay $0x1  }
0x128: {  	v4 =	vadd.s32 v1, v4;
	_ =	sdelay $0x3  }
0x129: {  	s11 =	simm.s32 $0x14200  }
0x12a: {  	[tilespmem:s11], [sflag:$0x3] =	stream.indirect_vreg.gather [hbm4b:s2+s3], $0x80, v4, vm0, $0xb8;
	[tilespmem:$0x18200] =	vst v63  }
0x12b: {  	v3 =	vperm.xlane v3, v2;
	s11 =	simm.s32 $0x14A00  }
0x12c: {  	[tilespmem:s11], [sflag:$0x3] =	stream.indirect_vreg.gather [hbm4b:s5+s3], $0x80, v4, vm0, $0xb8;
	[tilespmem:$0x18200] =	vst v63  }
0x12d: {  	v3 =	vadd.s32 v1, v3;
	s11 =	simm.s32 $0x15200  }
0x12e: {  	[tilespmem:s11], [sflag:$0x3] =	stream.indirect_vreg.gather [hbm4b:s6+s3], $0x80, v4, vm0, $0xb8;
	[tilespmem:$0x18200] =	vst v63  }
0x12f: {  	s11 =	simm.s32 $0x15A00  }
0x130: {  	[tilespmem:s11], [sflag:$0x3] =	stream.indirect_vreg.gather [hbm4b:s7+s3], $0x80, v4, vm0, $0xb8;
	[tilespmem:$0x18200] =	vst v63  }
0x131: {  	s11 =	simm.s32 $0x16200  }
0x132: {  	[tilespmem:s11], [sflag:$0x3] =	stream.indirect_vreg.gather [hbm4b:s2+s3], $0x80, v3, vm0, $0xb8;
	[tilespmem:$0x18200] =	vst v63  }
0x133: {  	s11 =	simm.s32 $0x16A00  }
0x134: {  	[tilespmem:s11], [sflag:$0x3] =	stream.indirect_vreg.gather [hbm4b:s5+s3], $0x80, v3, vm0, $0xb8;
	[tilespmem:$0x18200] =	vst v63  }
0x135: {  	s11 =	simm.s32 $0x17200  }
0x136: {  	[tilespmem:s11], [sflag:$0x3] =	stream.indirect_vreg.gather [hbm4b:s6+s3], $0x80, v3, vm0, $0xb8;
	[tilespmem:$0x18200] =	vst v63  }
0x137: {  	s11 =	simm.s32 $0x17A00  }
0x138: {  	[tilespmem:s11], [sflag:$0x3] =	stream.indirect_vreg.gather [hbm4b:s7+s3], $0x80, v3, vm0, $0xb8;
	[tilespmem:$0x18200] =	vst v63  }
0x139: {  	_ =	swait.ge [sflag:s29], $0x8000  }
0x13a: {  	[sflag:s29] =	ssyncset.done $0x0  }
0x13b: {  	s11 =	rddreg [dreg:$0x7];
	[sflag:s29] =	ssyncadd.s32 $0xFFFF8000  }
0x13c: {  	[hbm4b:s11+s3] =	stream.linear.scatter [tilespmem:s24], [sflag:$0x4], $0x8000, $0x38;
	[tilespmem:$0x18200] =	vst v63  }
0x13d: {  	_ =	swait.ge [sflag:s30], $0x8000  }
0x13e: {  	[sflag:s30] =	ssyncset.done $0x0  }
0x13f: {  	[sflag:s30] =	ssyncadd.s32 $0xFFFF8000  }
0x140: {  	v3 =	vld [tilespmem:$0xC0];
	_ =	sdelay $0x4  }
0x141: {  	v44 =	vshll.u32 v3, $0x3  }
0x142: {  	v3 =	vand.u32 $0x7, v3;
	v4 =	vand.u32 $0xFFFFFFC0, v44  }
0x143: {  	v3 =	vor.u32 v3, v4  }
0x144: {  	v4 =	vperm.xlane v3, v0;
	_ =	sdelay $0x1  }
0x145: {  	v4 =	vadd.s32 v1, v4;
	_ =	sdelay $0x4  }
0x146: {  	[tilespmem:s24], [sflag:$0x1] =	stream.indirect_vreg.gather [hbm4b:s2+s3], $0x80, v4, vm0, $0xb8;
	[tilespmem:$0x18200] =	vst v63  }
0x147: {  	s11 =	simm.s32 $0xA00;
	v3 =	vperm.xlane v3, v2  }
0x148: {  	[tilespmem:s11], [sflag:$0x1] =	stream.indirect_vreg.gather [hbm4b:s5+s3], $0x80, v4, vm0, $0xb8;
	[tilespmem:$0x18200] =	vst v63  }
0x149: {  	v3 =	vadd.s32 v1, v3;
	s11 =	simm.s32 $0x1200  }
0x14a: {  	[tilespmem:s11], [sflag:$0x1] =	stream.indirect_vreg.gather [hbm4b:s6+s3], $0x80, v4, vm0, $0xb8;
	[tilespmem:$0x18200] =	vst v63  }
0x14b: {  	s28 =	simm.s32 $0x1A00  }
0x14c: {  	[tilespmem:s28], [sflag:$0x1] =	stream.indirect_vreg.gather [hbm4b:s7+s3], $0x80, v4, vm0, $0xb8;
	[tilespmem:$0x18200] =	vst v63  }
0x14d: {  	s28 =	simm.s32 $0x2200  }
0x14e: {  	[tilespmem:s28], [sflag:$0x1] =	stream.indirect_vreg.gather [hbm4b:s2+s3], $0x80, v3, vm0, $0xb8;
	[tilespmem:$0x18200] =	vst v63  }
0x14f: {  	s11 =	simm.s32 $0x2A00  }
0x150: {  	[tilespmem:s11], [sflag:$0x1] =	stream.indirect_vreg.gather [hbm4b:s5+s3], $0x80, v3, vm0, $0xb8;
	[tilespmem:$0x18200] =	vst v63  }
0x151: {  	s11 =	simm.s32 $0x3200  }
0x152: {  	[tilespmem:s11], [sflag:$0x1] =	stream.indirect_vreg.gather [hbm4b:s6+s3], $0x80, v3, vm0, $0xb8;
	[tilespmem:$0x18200] =	vst v63  }
0x153: {  	s11 =	simm.s32 $0x3A00  }
0x154: {  	[tilespmem:s11], [sflag:$0x1] =	stream.indirect_vreg.gather [hbm4b:s7+s3], $0x80, v3, vm0, $0xb8;
	[tilespmem:$0x18200] =	vst v63  }
0x155: {  	v3 =	vld [tilespmem:$0xD0];
	_ =	sdelay $0x4  }
0x156: {  	v45 =	vshll.u32 v3, $0x3  }
0x157: {  	v3 =	vand.u32 $0x7, v3;
	v4 =	vand.u32 $0xFFFFFFC0, v45  }
0x158: {  	v3 =	vor.u32 v3, v4  }
0x159: {  	v4 =	vperm.xlane v3, v0;
	_ =	sdelay $0x1  }
0x15a: {  	v4 =	vadd.s32 v1, v4;
	_ =	sdelay $0x3  }
0x15b: {  	s11 =	simm.s32 $0x4200  }
0x15c: {  	[tilespmem:s11], [sflag:$0x1] =	stream.indirect_vreg.gather [hbm4b:s2+s3], $0x80, v4, vm0, $0xb8;
	[tilespmem:$0x18200] =	vst v63  }
0x15d: {  	v3 =	vperm.xlane v3, v2;
	s11 =	simm.s32 $0x4A00  }
0x15e: {  	[tilespmem:s11], [sflag:$0x1] =	stream.indirect_vreg.gather [hbm4b:s5+s3], $0x80, v4, vm0, $0xb8;
	[tilespmem:$0x18200] =	vst v63  }
0x15f: {  	v3 =	vadd.s32 v1, v3;
	s11 =	simm.s32 $0x5200  }
0x160: {  	[tilespmem:s11], [sflag:$0x1] =	stream.indirect_vreg.gather [hbm4b:s6+s3], $0x80, v4, vm0, $0xb8;
	[tilespmem:$0x18200] =	vst v63  }
0x161: {  	s11 =	simm.s32 $0x5A00  }
0x162: {  	[tilespmem:s11], [sflag:$0x1] =	stream.indirect_vreg.gather [hbm4b:s7+s3], $0x80, v4, vm0, $0xb8;
	[tilespmem:$0x18200] =	vst v63  }
0x163: {  	s11 =	simm.s32 $0x6200  }
0x164: {  	[tilespmem:s11], [sflag:$0x1] =	stream.indirect_vreg.gather [hbm4b:s2+s3], $0x80, v3, vm0, $0xb8;
	[tilespmem:$0x18200] =	vst v63  }
0x165: {  	s11 =	simm.s32 $0x6A00  }
0x166: {  	[tilespmem:s11], [sflag:$0x1] =	stream.indirect_vreg.gather [hbm4b:s5+s3], $0x80, v3, vm0, $0xb8;
	[tilespmem:$0x18200] =	vst v63  }
0x167: {  	s11 =	simm.s32 $0x7200  }
0x168: {  	[tilespmem:s11], [sflag:$0x1] =	stream.indirect_vreg.gather [hbm4b:s6+s3], $0x80, v3, vm0, $0xb8;
	[tilespmem:$0x18200] =	vst v63  }
0x169: {  	s11 =	simm.s32 $0x7A00  }
0x16a: {  	[tilespmem:s11], [sflag:$0x1] =	stream.indirect_vreg.gather [hbm4b:s7+s3], $0x80, v3, vm0, $0xb8;
	[tilespmem:$0x18200] =	vst v63  }
0x16b: {  	_ =	swait.ge [sflag:s31], $0x8000  }
0x16c: {  	[sflag:s31] =	ssyncset.done $0x0  }
0x16d: {  	s11 =	rddreg [dreg:$0x8];
	[sflag:s31] =	ssyncadd.s32 $0xFFFF8000  }
0x16e: {  	[hbm4b:s11+s3] =	stream.linear.scatter [tilespmem:s10], [sflag:$0x5], $0x8000, $0x38;
	[tilespmem:$0x18200] =	vst v63  }
0x16f: {  	_ =	swait.ge [sflag:s0], $0x8000  }
0x170: {  	[sflag:s0] =	ssyncset.done $0x0  }
0x171: {  	[sflag:s0] =	ssyncadd.s32 $0xFFFF8000  }
0x172: {  	v3 =	vld [tilespmem:$0xE0];
	_ =	sdelay $0x4  }
0x173: {  	v46 =	vshll.u32 v3, $0x3  }
0x174: {  	v3 =	vand.u32 $0x7, v3;
	v4 =	vand.u32 $0xFFFFFFC0, v46  }
0x175: {  	v3 =	vor.u32 v3, v4  }
0x176: {  	v4 =	vperm.xlane v3, v0;
	_ =	sdelay $0x1  }
0x177: {  	v4 =	vadd.s32 v1, v4;
	_ =	sdelay $0x4  }
0x178: {  	[tilespmem:s10], [sflag:$0x2] =	stream.indirect_vreg.gather [hbm4b:s2+s3], $0x80, v4, vm0, $0xb8;
	[tilespmem:$0x18200] =	vst v63  }
0x179: {  	v3 =	vperm.xlane v3, v2  }
0x17a: {  	[tilespmem:s26], [sflag:$0x2] =	stream.indirect_vreg.gather [hbm4b:s5+s3], $0x80, v4, vm0, $0xb8;
	[tilespmem:$0x18200] =	vst v63  }
0x17b: {  	v3 =	vadd.s32 v1, v3  }
0x17c: {  	[tilespmem:s25], [sflag:$0x2] =	stream.indirect_vreg.gather [hbm4b:s6+s3], $0x80, v4, vm0, $0xb8;
	[tilespmem:$0x18200] =	vst v63  }
0x17d: {  	_ = 	snop  }
0x17e: {  	[tilespmem:s12], [sflag:$0x2] =	stream.indirect_vreg.gather [hbm4b:s7+s3], $0x80, v4, vm0, $0xb8;
	[tilespmem:$0x18200] =	vst v63  }
0x17f: {  	_ = 	snop  }
0x180: {  	[tilespmem:s13], [sflag:$0x2] =	stream.indirect_vreg.gather [hbm4b:s2+s3], $0x80, v3, vm0, $0xb8;
	[tilespmem:$0x18200] =	vst v63  }
0x181: {  	_ = 	snop  }
0x182: {  	[tilespmem:s14], [sflag:$0x2] =	stream.indirect_vreg.gather [hbm4b:s5+s3], $0x80, v3, vm0, $0xb8;
	[tilespmem:$0x18200] =	vst v63  }
0x183: {  	_ = 	snop  }
0x184: {  	[tilespmem:s15], [sflag:$0x2] =	stream.indirect_vreg.gather [hbm4b:s6+s3], $0x80, v3, vm0, $0xb8;
	[tilespmem:$0x18200] =	vst v63  }
0x185: {  	_ = 	snop  }
0x186: {  	[tilespmem:s21], [sflag:$0x2] =	stream.indirect_vreg.gather [hbm4b:s7+s3], $0x80, v3, vm0, $0xb8;
	[tilespmem:$0x18200] =	vst v63  }
0x187: {  	v3 =	vld [tilespmem:$0xF0];
	_ =	sdelay $0x4  }
0x188: {  	v47 =	vshll.u32 v3, $0x3  }
0x189: {  	v3 =	vand.u32 $0x7, v3;
	v4 =	vand.u32 $0xFFFFFFC0, v47  }
0x18a: {  	v3 =	vor.u32 v3, v4  }
0x18b: {  	v4 =	vperm.xlane v3, v0;
	_ =	sdelay $0x1  }
0x18c: {  	v4 =	vadd.s32 v1, v4;
	_ =	sdelay $0x4  }
0x18d: {  	[tilespmem:s22], [sflag:$0x2] =	stream.indirect_vreg.gather [hbm4b:s2+s3], $0x80, v4, vm0, $0xb8;
	[tilespmem:$0x18200] =	vst v63  }
0x18e: {  	v3 =	vperm.xlane v3, v2  }
0x18f: {  	[tilespmem:s23], [sflag:$0x2] =	stream.indirect_vreg.gather [hbm4b:s5+s3], $0x80, v4, vm0, $0xb8;
	[tilespmem:$0x18200] =	vst v63  }
0x190: {  	v3 =	vadd.s32 v1, v3  }
0x191: {  	[tilespmem:s16], [sflag:$0x2] =	stream.indirect_vreg.gather [hbm4b:s6+s3], $0x80, v4, vm0, $0xb8;
	[tilespmem:$0x18200] =	vst v63  }
0x192: {  	_ = 	snop  }
0x193: {  	[tilespmem:s17], [sflag:$0x2] =	stream.indirect_vreg.gather [hbm4b:s7+s3], $0x80, v4, vm0, $0xb8;
	[tilespmem:$0x18200] =	vst v63  }
0x194: {  	_ = 	snop  }
0x195: {  	[tilespmem:s18], [sflag:$0x2] =	stream.indirect_vreg.gather [hbm4b:s2+s3], $0x80, v3, vm0, $0xb8;
	[tilespmem:$0x18200] =	vst v63  }
0x196: {  	_ = 	snop  }
0x197: {  	[tilespmem:s19], [sflag:$0x2] =	stream.indirect_vreg.gather [hbm4b:s5+s3], $0x80, v3, vm0, $0xb8;
	[tilespmem:$0x18200] =	vst v63  }
0x198: {  	_ = 	snop  }
0x199: {  	[tilespmem:s20], [sflag:$0x2] =	stream.indirect_vreg.gather [hbm4b:s6+s3], $0x80, v3, vm0, $0xb8;
	[tilespmem:$0x18200] =	vst v63  }
0x19a: {  	s23 =	simm.s32 $0xFA00  }
0x19b: {  	[tilespmem:s23], [sflag:$0x2] =	stream.indirect_vreg.gather [hbm4b:s7+s3], $0x80, v3, vm0, $0xb8;
	[tilespmem:$0x18200] =	vst v63  }
0x19c: {  	_ =	swait.ge [sflag:s1], $0x8000  }
0x19d: {  	[sflag:s1] =	ssyncset.done $0x0  }
0x19e: {  	s12 =	rddreg [dreg:$0x9];
	[sflag:s1] =	ssyncadd.s32 $0xFFFF8000  }
0x19f: {  	[hbm4b:s12+s3] =	stream.linear.scatter [tilespmem:s9], [sflag:$0x6], $0x8000, $0x38;
	[tilespmem:$0x18200] =	vst v63  }
0x1a0: {  	_ =	swait.ge [sflag:s4], $0x8000  }
0x1a1: {  	[sflag:s4] =	ssyncset.done $0x0  }
0x1a2: {  	[sflag:s4] =	ssyncadd.s32 $0xFFFF8000  }
0x1a3: {  	v3 =	vld [tilespmem:$0x100];
	_ =	sdelay $0x4  }
0x1a4: {  	v48 =	vshll.u32 v3, $0x3  }
0x1a5: {  	v3 =	vand.u32 $0x7, v3;
	v4 =	vand.u32 $0xFFFFFFC0, v48  }
0x1a6: {  	v3 =	vor.u32 v3, v4  }
0x1a7: {  	v4 =	vperm.xlane v3, v0;
	_ =	sdelay $0x1  }
0x1a8: {  	v4 =	vadd.s32 v1, v4;
	_ =	sdelay $0x4  }
0x1a9: {  	[tilespmem:s9], [sflag:$0x3] =	stream.indirect_vreg.gather [hbm4b:s2+s3], $0x80, v4, vm0, $0xb8;
	[tilespmem:$0x18200] =	vst v63  }
0x1aa: {  	s21 =	simm.s32 $0x10A00;
	v3 =	vperm.xlane v3, v2  }
0x1ab: {  	[tilespmem:s21], [sflag:$0x3] =	stream.indirect_vreg.gather [hbm4b:s5+s3], $0x80, v4, vm0, $0xb8;
	[tilespmem:$0x18200] =	vst v63  }
0x1ac: {  	s22 =	simm.s32 $0x11200;
	v3 =	vadd.s32 v1, v3  }
0x1ad: {  	[tilespmem:s22], [sflag:$0x3] =	stream.indirect_vreg.gather [hbm4b:s6+s3], $0x80, v4, vm0, $0xb8;
	[tilespmem:$0x18200] =	vst v63  }
0x1ae: {  	s23 =	simm.s32 $0x11A00  }
0x1af: {  	[tilespmem:s23], [sflag:$0x3] =	stream.indirect_vreg.gather [hbm4b:s7+s3], $0x80, v4, vm0, $0xb8;
	[tilespmem:$0x18200] =	vst v63  }
0x1b0: {  	s12 =	simm.s32 $0x12200  }
0x1b1: {  	[tilespmem:s12], [sflag:$0x3] =	stream.indirect_vreg.gather [hbm4b:s2+s3], $0x80, v3, vm0, $0xb8;
	[tilespmem:$0x18200] =	vst v63  }
0x1b2: {  	s21 =	simm.s32 $0x12A00  }
0x1b3: {  	[tilespmem:s21], [sflag:$0x3] =	stream.indirect_vreg.gather [hbm4b:s5+s3], $0x80, v3, vm0, $0xb8;
	[tilespmem:$0x18200] =	vst v63  }
0x1b4: {  	s22 =	simm.s32 $0x13200  }
0x1b5: {  	[tilespmem:s22], [sflag:$0x3] =	stream.indirect_vreg.gather [hbm4b:s6+s3], $0x80, v3, vm0, $0xb8;
	[tilespmem:$0x18200] =	vst v63  }
0x1b6: {  	s23 =	simm.s32 $0x13A00  }
0x1b7: {  	[tilespmem:s23], [sflag:$0x3] =	stream.indirect_vreg.gather [hbm4b:s7+s3], $0x80, v3, vm0, $0xb8;
	[tilespmem:$0x18200] =	vst v63  }
0x1b8: {  	v3 =	vld [tilespmem:$0x110];
	_ =	sdelay $0x4  }
0x1b9: {  	v49 =	vshll.u32 v3, $0x3  }
0x1ba: {  	v3 =	vand.u32 $0x7, v3;
	v4 =	vand.u32 $0xFFFFFFC0, v49  }
0x1bb: {  	v3 =	vor.u32 v3, v4  }
0x1bc: {  	v4 =	vperm.xlane v3, v0;
	_ =	sdelay $0x1  }
0x1bd: {  	v4 =	vadd.s32 v1, v4;
	_ =	sdelay $0x3  }
0x1be: {  	s12 =	simm.s32 $0x14200  }
0x1bf: {  	[tilespmem:s12], [sflag:$0x3] =	stream.indirect_vreg.gather [hbm4b:s2+s3], $0x80, v4, vm0, $0xb8;
	[tilespmem:$0x18200] =	vst v63  }
0x1c0: {  	s21 =	simm.s32 $0x14A00;
	v3 =	vperm.xlane v3, v2  }
0x1c1: {  	[tilespmem:s21], [sflag:$0x3] =	stream.indirect_vreg.gather [hbm4b:s5+s3], $0x80, v4, vm0, $0xb8;
	[tilespmem:$0x18200] =	vst v63  }
0x1c2: {  	s22 =	simm.s32 $0x15200;
	v3 =	vadd.s32 v1, v3  }
0x1c3: {  	[tilespmem:s22], [sflag:$0x3] =	stream.indirect_vreg.gather [hbm4b:s6+s3], $0x80, v4, vm0, $0xb8;
	[tilespmem:$0x18200] =	vst v63  }
0x1c4: {  	s23 =	simm.s32 $0x15A00  }
0x1c5: {  	[tilespmem:s23], [sflag:$0x3] =	stream.indirect_vreg.gather [hbm4b:s7+s3], $0x80, v4, vm0, $0xb8;
	[tilespmem:$0x18200] =	vst v63  }
0x1c6: {  	s12 =	simm.s32 $0x16200  }
0x1c7: {  	[tilespmem:s12], [sflag:$0x3] =	stream.indirect_vreg.gather [hbm4b:s2+s3], $0x80, v3, vm0, $0xb8;
	[tilespmem:$0x18200] =	vst v63  }
0x1c8: {  	s21 =	simm.s32 $0x16A00  }
0x1c9: {  	[tilespmem:s21], [sflag:$0x3] =	stream.indirect_vreg.gather [hbm4b:s5+s3], $0x80, v3, vm0, $0xb8;
	[tilespmem:$0x18200] =	vst v63  }
0x1ca: {  	s22 =	simm.s32 $0x17200  }
0x1cb: {  	[tilespmem:s22], [sflag:$0x3] =	stream.indirect_vreg.gather [hbm4b:s6+s3], $0x80, v3, vm0, $0xb8;
	[tilespmem:$0x18200] =	vst v63  }
0x1cc: {  	s23 =	simm.s32 $0x17A00  }
0x1cd: {  	[tilespmem:s23], [sflag:$0x3] =	stream.indirect_vreg.gather [hbm4b:s7+s3], $0x80, v3, vm0, $0xb8;
	[tilespmem:$0x18200] =	vst v63  }
0x1ce: {  	_ =	swait.ge [sflag:s29], $0x8000  }
0x1cf: {  	[sflag:s29] =	ssyncset.done $0x0  }
0x1d0: {  	s12 =	rddreg [dreg:$0xa];
	[sflag:s29] =	ssyncadd.s32 $0xFFFF8000  }
0x1d1: {  	[hbm4b:s12+s3] =	stream.linear.scatter [tilespmem:s24], [sflag:$0x4], $0x8000, $0x38;
	[tilespmem:$0x18200] =	vst v63  }
0x1d2: {  	_ =	swait.ge [sflag:s30], $0x8000  }
0x1d3: {  	[sflag:s30] =	ssyncset.done $0x0  }
0x1d4: {  	[sflag:s30] =	ssyncadd.s32 $0xFFFF8000  }
0x1d5: {  	v3 =	vld [tilespmem:$0x120];
	_ =	sdelay $0x4  }
0x1d6: {  	v50 =	vshll.u32 v3, $0x3  }
0x1d7: {  	v3 =	vand.u32 $0x7, v3;
	v4 =	vand.u32 $0xFFFFFFC0, v50  }
0x1d8: {  	v3 =	vor.u32 v3, v4  }
0x1d9: {  	v4 =	vperm.xlane v3, v0;
	_ =	sdelay $0x1  }
0x1da: {  	v4 =	vadd.s32 v1, v4;
	_ =	sdelay $0x4  }
0x1db: {  	[tilespmem:s24], [sflag:$0x1] =	stream.indirect_vreg.gather [hbm4b:s2+s3], $0x80, v4, vm0, $0xb8;
	[tilespmem:$0x18200] =	vst v63  }
0x1dc: {  	s21 =	simm.s32 $0xA00;
	v3 =	vperm.xlane v3, v2  }
0x1dd: {  	[tilespmem:s21], [sflag:$0x1] =	stream.indirect_vreg.gather [hbm4b:s5+s3], $0x80, v4, vm0, $0xb8;
	[tilespmem:$0x18200] =	vst v63  }
0x1de: {  	s22 =	simm.s32 $0x1200;
	v3 =	vadd.s32 v1, v3  }
0x1df: {  	[tilespmem:s22], [sflag:$0x1] =	stream.indirect_vreg.gather [hbm4b:s6+s3], $0x80, v4, vm0, $0xb8;
	[tilespmem:$0x18200] =	vst v63  }
0x1e0: {  	s23 =	simm.s32 $0x1A00  }
0x1e1: {  	[tilespmem:s23], [sflag:$0x1] =	stream.indirect_vreg.gather [hbm4b:s7+s3], $0x80, v4, vm0, $0xb8;
	[tilespmem:$0x18200] =	vst v63  }
0x1e2: {  	s28 =	simm.s32 $0x2200  }
0x1e3: {  	[tilespmem:s28], [sflag:$0x1] =	stream.indirect_vreg.gather [hbm4b:s2+s3], $0x80, v3, vm0, $0xb8;
	[tilespmem:$0x18200] =	vst v63  }
0x1e4: {  	s12 =	simm.s32 $0x2A00  }
0x1e5: {  	[tilespmem:s12], [sflag:$0x1] =	stream.indirect_vreg.gather [hbm4b:s5+s3], $0x80, v3, vm0, $0xb8;
	[tilespmem:$0x18200] =	vst v63  }
0x1e6: {  	s21 =	simm.s32 $0x3200  }
0x1e7: {  	[tilespmem:s21], [sflag:$0x1] =	stream.indirect_vreg.gather [hbm4b:s6+s3], $0x80, v3, vm0, $0xb8;
	[tilespmem:$0x18200] =	vst v63  }
0x1e8: {  	s22 =	simm.s32 $0x3A00  }
0x1e9: {  	[tilespmem:s22], [sflag:$0x1] =	stream.indirect_vreg.gather [hbm4b:s7+s3], $0x80, v3, vm0, $0xb8;
	[tilespmem:$0x18200] =	vst v63  }
0x1ea: {  	v3 =	vld [tilespmem:$0x130];
	_ =	sdelay $0x4  }
0x1eb: {  	v51 =	vshll.u32 v3, $0x3  }
0x1ec: {  	v3 =	vand.u32 $0x7, v3;
	v4 =	vand.u32 $0xFFFFFFC0, v51  }
0x1ed: {  	v3 =	vor.u32 v3, v4  }
0x1ee: {  	v4 =	vperm.xlane v3, v0;
	_ =	sdelay $0x1  }
0x1ef: {  	v4 =	vadd.s32 v1, v4;
	_ =	sdelay $0x3  }
0x1f0: {  	s23 =	simm.s32 $0x4200  }
0x1f1: {  	[tilespmem:s23], [sflag:$0x1] =	stream.indirect_vreg.gather [hbm4b:s2+s3], $0x80, v4, vm0, $0xb8;
	[tilespmem:$0x18200] =	vst v63  }
0x1f2: {  	s28 =	simm.s32 $0x4A00;
	v3 =	vperm.xlane v3, v2  }
0x1f3: {  	[tilespmem:s28], [sflag:$0x1] =	stream.indirect_vreg.gather [hbm4b:s5+s3], $0x80, v4, vm0, $0xb8;
	[tilespmem:$0x18200] =	vst v63  }
0x1f4: {  	s12 =	simm.s32 $0x5200;
	v3 =	vadd.s32 v1, v3  }
0x1f5: {  	[tilespmem:s12], [sflag:$0x1] =	stream.indirect_vreg.gather [hbm4b:s6+s3], $0x80, v4, vm0, $0xb8;
	[tilespmem:$0x18200] =	vst v63  }
0x1f6: {  	s21 =	simm.s32 $0x5A00  }
0x1f7: {  	[tilespmem:s21], [sflag:$0x1] =	stream.indirect_vreg.gather [hbm4b:s7+s3], $0x80, v4, vm0, $0xb8;
	[tilespmem:$0x18200] =	vst v63  }
0x1f8: {  	s22 =	simm.s32 $0x6200  }
0x1f9: {  	[tilespmem:s22], [sflag:$0x1] =	stream.indirect_vreg.gather [hbm4b:s2+s3], $0x80, v3, vm0, $0xb8;
	[tilespmem:$0x18200] =	vst v63  }
0x1fa: {  	s23 =	simm.s32 $0x6A00  }
0x1fb: {  	[tilespmem:s23], [sflag:$0x1] =	stream.indirect_vreg.gather [hbm4b:s5+s3], $0x80, v3, vm0, $0xb8;
	[tilespmem:$0x18200] =	vst v63  }
0x1fc: {  	s28 =	simm.s32 $0x7200  }
0x1fd: {  	[tilespmem:s28], [sflag:$0x1] =	stream.indirect_vreg.gather [hbm4b:s6+s3], $0x80, v3, vm0, $0xb8;
	[tilespmem:$0x18200] =	vst v63  }
0x1fe: {  	s12 =	simm.s32 $0x7A00  }
0x1ff: {  	[tilespmem:s12], [sflag:$0x1] =	stream.indirect_vreg.gather [hbm4b:s7+s3], $0x80, v3, vm0, $0xb8;
	[tilespmem:$0x18200] =	vst v63  }
0x200: {  	_ =	swait.ge [sflag:s31], $0x8000  }
0x201: {  	[sflag:s31] =	ssyncset.done $0x0  }
0x202: {  	s21 =	rddreg [dreg:$0xb];
	[sflag:s31] =	ssyncadd.s32 $0xFFFF8000  }
0x203: {  	[hbm4b:s21+s3] =	stream.linear.scatter [tilespmem:s10], [sflag:$0x5], $0x8000, $0x38;
	[tilespmem:$0x18200] =	vst v63  }
0x204: {  	_ =	swait.ge [sflag:s0], $0x8000  }
0x205: {  	[sflag:s0] =	ssyncset.done $0x0  }
0x206: {  	[sflag:s0] =	ssyncadd.s32 $0xFFFF8000  }
0x207: {  	v3 =	vld [tilespmem:$0x140];
	_ =	sdelay $0x4  }
0x208: {  	v52 =	vshll.u32 v3, $0x3  }
0x209: {  	v3 =	vand.u32 $0x7, v3;
	v4 =	vand.u32 $0xFFFFFFC0, v52  }
0x20a: {  	v3 =	vor.u32 v3, v4  }
0x20b: {  	v4 =	vperm.xlane v3, v0;
	_ =	sdelay $0x1  }
0x20c: {  	v4 =	vadd.s32 v1, v4;
	_ =	sdelay $0x4  }
0x20d: {  	[tilespmem:s10], [sflag:$0x2] =	stream.indirect_vreg.gather [hbm4b:s2+s3], $0x80, v4, vm0, $0xb8;
	[tilespmem:$0x18200] =	vst v63  }
0x20e: {  	s22 =	simm.s32 $0x8A00;
	v3 =	vperm.xlane v3, v2  }
0x20f: {  	[tilespmem:s22], [sflag:$0x2] =	stream.indirect_vreg.gather [hbm4b:s5+s3], $0x80, v4, vm0, $0xb8;
	[tilespmem:$0x18200] =	vst v63  }
0x210: {  	s25 =	simm.s32 $0x9200;
	v3 =	vadd.s32 v1, v3  }
0x211: {  	[tilespmem:s25], [sflag:$0x2] =	stream.indirect_vreg.gather [hbm4b:s6+s3], $0x80, v4, vm0, $0xb8;
	[tilespmem:$0x18200] =	vst v63  }
0x212: {  	s26 =	simm.s32 $0x9A00  }
0x213: {  	[tilespmem:s26], [sflag:$0x2] =	stream.indirect_vreg.gather [hbm4b:s7+s3], $0x80, v4, vm0, $0xb8;
	[tilespmem:$0x18200] =	vst v63  }
0x214: {  	s13 =	simm.s32 $0xA200  }
0x215: {  	[tilespmem:s13], [sflag:$0x2] =	stream.indirect_vreg.gather [hbm4b:s2+s3], $0x80, v3, vm0, $0xb8;
	[tilespmem:$0x18200] =	vst v63  }
0x216: {  	s14 =	simm.s32 $0xAA00  }
0x217: {  	[tilespmem:s14], [sflag:$0x2] =	stream.indirect_vreg.gather [hbm4b:s5+s3], $0x80, v3, vm0, $0xb8;
	[tilespmem:$0x18200] =	vst v63  }
0x218: {  	s15 =	simm.s32 $0xB200  }
0x219: {  	[tilespmem:s15], [sflag:$0x2] =	stream.indirect_vreg.gather [hbm4b:s6+s3], $0x80, v3, vm0, $0xb8;
	[tilespmem:$0x18200] =	vst v63  }
0x21a: {  	s23 =	simm.s32 $0xBA00  }
0x21b: {  	[tilespmem:s23], [sflag:$0x2] =	stream.indirect_vreg.gather [hbm4b:s7+s3], $0x80, v3, vm0, $0xb8;
	[tilespmem:$0x18200] =	vst v63  }
0x21c: {  	v3 =	vld [tilespmem:$0x150];
	_ =	sdelay $0x4  }
0x21d: {  	v53 =	vshll.u32 v3, $0x3  }
0x21e: {  	v3 =	vand.u32 $0x7, v3;
	v4 =	vand.u32 $0xFFFFFFC0, v53  }
0x21f: {  	v3 =	vor.u32 v3, v4  }
0x220: {  	v4 =	vperm.xlane v3, v0;
	_ =	sdelay $0x1  }
0x221: {  	v4 =	vadd.s32 v1, v4;
	_ =	sdelay $0x3  }
0x222: {  	s28 =	simm.s32 $0xC200  }
0x223: {  	[tilespmem:s28], [sflag:$0x2] =	stream.indirect_vreg.gather [hbm4b:s2+s3], $0x80, v4, vm0, $0xb8;
	[tilespmem:$0x18200] =	vst v63  }
0x224: {  	s15 =	simm.s32 $0xCA00;
	v3 =	vperm.xlane v3, v2  }
0x225: {  	[tilespmem:s15], [sflag:$0x2] =	stream.indirect_vreg.gather [hbm4b:s5+s3], $0x80, v4, vm0, $0xb8;
	[tilespmem:$0x18200] =	vst v63  }
0x226: {  	s16 =	simm.s32 $0xD200;
	v3 =	vadd.s32 v1, v3  }
0x227: {  	[tilespmem:s16], [sflag:$0x2] =	stream.indirect_vreg.gather [hbm4b:s6+s3], $0x80, v4, vm0, $0xb8;
	[tilespmem:$0x18200] =	vst v63  }
0x228: {  	s17 =	simm.s32 $0xDA00  }
0x229: {  	[tilespmem:s17], [sflag:$0x2] =	stream.indirect_vreg.gather [hbm4b:s7+s3], $0x80, v4, vm0, $0xb8;
	[tilespmem:$0x18200] =	vst v63  }
0x22a: {  	s18 =	simm.s32 $0xE200  }
0x22b: {  	[tilespmem:s18], [sflag:$0x2] =	stream.indirect_vreg.gather [hbm4b:s2+s3], $0x80, v3, vm0, $0xb8;
	[tilespmem:$0x18200] =	vst v63  }
0x22c: {  	s19 =	simm.s32 $0xEA00  }
0x22d: {  	[tilespmem:s19], [sflag:$0x2] =	stream.indirect_vreg.gather [hbm4b:s5+s3], $0x80, v3, vm0, $0xb8;
	[tilespmem:$0x18200] =	vst v63  }
0x22e: {  	s20 =	simm.s32 $0xF200  }
0x22f: {  	[tilespmem:s20], [sflag:$0x2] =	stream.indirect_vreg.gather [hbm4b:s6+s3], $0x80, v3, vm0, $0xb8;
	[tilespmem:$0x18200] =	vst v63  }
0x230: {  	s20 =	simm.s32 $0xFA00  }
0x231: {  	[tilespmem:s20], [sflag:$0x2] =	stream.indirect_vreg.gather [hbm4b:s7+s3], $0x80, v3, vm0, $0xb8;
	[tilespmem:$0x18200] =	vst v63  }
0x232: {  	_ =	swait.ge [sflag:s1], $0x8000  }
0x233: {  	[sflag:s1] =	ssyncset.done $0x0  }
0x234: {  	s20 =	rddreg [dreg:$0xc];
	[sflag:s1] =	ssyncadd.s32 $0xFFFF8000  }
0x235: {  	[hbm4b:s20+s3] =	stream.linear.scatter [tilespmem:s9], [sflag:$0x6], $0x8000, $0x38;
	[tilespmem:$0x18200] =	vst v63  }
0x236: {  	_ =	swait.ge [sflag:s4], $0x8000  }
0x237: {  	[sflag:s4] =	ssyncset.done $0x0  }
0x238: {  	[sflag:s4] =	ssyncadd.s32 $0xFFFF8000  }
0x239: {  	v3 =	vld [tilespmem:$0x160];
	_ =	sdelay $0x4  }
0x23a: {  	v54 =	vshll.u32 v3, $0x3  }
0x23b: {  	v3 =	vand.u32 $0x7, v3;
	v4 =	vand.u32 $0xFFFFFFC0, v54  }
0x23c: {  	v3 =	vor.u32 v3, v4  }
0x23d: {  	v4 =	vperm.xlane v3, v0;
	_ =	sdelay $0x1  }
0x23e: {  	v4 =	vadd.s32 v1, v4;
	_ =	sdelay $0x4  }
0x23f: {  	[tilespmem:s9], [sflag:$0x3] =	stream.indirect_vreg.gather [hbm4b:s2+s3], $0x80, v4, vm0, $0xb8;
	[tilespmem:$0x18200] =	vst v63  }
0x240: {  	s20 =	simm.s32 $0x10A00;
	v3 =	vperm.xlane v3, v2  }
0x241: {  	[tilespmem:s20], [sflag:$0x3] =	stream.indirect_vreg.gather [hbm4b:s5+s3], $0x80, v4, vm0, $0xb8;
	[tilespmem:$0x18200] =	vst v63  }
0x242: {  	v3 =	vadd.s32 v1, v3;
	s20 =	simm.s32 $0x11200  }
0x243: {  	[tilespmem:s20], [sflag:$0x3] =	stream.indirect_vreg.gather [hbm4b:s6+s3], $0x80, v4, vm0, $0xb8;
	[tilespmem:$0x18200] =	vst v63  }
0x244: {  	s20 =	simm.s32 $0x11A00  }
0x245: {  	[tilespmem:s20], [sflag:$0x3] =	stream.indirect_vreg.gather [hbm4b:s7+s3], $0x80, v4, vm0, $0xb8;
	[tilespmem:$0x18200] =	vst v63  }
0x246: {  	s20 =	simm.s32 $0x12200  }
0x247: {  	[tilespmem:s20], [sflag:$0x3] =	stream.indirect_vreg.gather [hbm4b:s2+s3], $0x80, v3, vm0, $0xb8;
	[tilespmem:$0x18200] =	vst v63  }
0x248: {  	s20 =	simm.s32 $0x12A00  }
0x249: {  	[tilespmem:s20], [sflag:$0x3] =	stream.indirect_vreg.gather [hbm4b:s5+s3], $0x80, v3, vm0, $0xb8;
	[tilespmem:$0x18200] =	vst v63  }
0x24a: {  	s20 =	simm.s32 $0x13200  }
0x24b: {  	[tilespmem:s20], [sflag:$0x3] =	stream.indirect_vreg.gather [hbm4b:s6+s3], $0x80, v3, vm0, $0xb8;
	[tilespmem:$0x18200] =	vst v63  }
0x24c: {  	s20 =	simm.s32 $0x13A00  }
0x24d: {  	[tilespmem:s20], [sflag:$0x3] =	stream.indirect_vreg.gather [hbm4b:s7+s3], $0x80, v3, vm0, $0xb8;
	[tilespmem:$0x18200] =	vst v63  }
0x24e: {  	v3 =	vld [tilespmem:$0x170];
	_ =	sdelay $0x4  }
0x24f: {  	v55 =	vshll.u32 v3, $0x3  }
0x250: {  	v3 =	vand.u32 $0x7, v3;
	v4 =	vand.u32 $0xFFFFFFC0, v55  }
0x251: {  	v3 =	vor.u32 v3, v4  }
0x252: {  	v4 =	vperm.xlane v3, v0;
	_ =	sdelay $0x1  }
0x253: {  	v4 =	vadd.s32 v1, v4;
	_ =	sdelay $0x3  }
0x254: {  	s20 =	simm.s32 $0x14200  }
0x255: {  	[tilespmem:s20], [sflag:$0x3] =	stream.indirect_vreg.gather [hbm4b:s2+s3], $0x80, v4, vm0, $0xb8;
	[tilespmem:$0x18200] =	vst v63  }
0x256: {  	v3 =	vperm.xlane v3, v2;
	s20 =	simm.s32 $0x14A00  }
0x257: {  	[tilespmem:s20], [sflag:$0x3] =	stream.indirect_vreg.gather [hbm4b:s5+s3], $0x80, v4, vm0, $0xb8;
	[tilespmem:$0x18200] =	vst v63  }
0x258: {  	v3 =	vadd.s32 v1, v3;
	s20 =	simm.s32 $0x15200  }
0x259: {  	[tilespmem:s20], [sflag:$0x3] =	stream.indirect_vreg.gather [hbm4b:s6+s3], $0x80, v4, vm0, $0xb8;
	[tilespmem:$0x18200] =	vst v63  }
0x25a: {  	s20 =	simm.s32 $0x15A00  }
0x25b: {  	[tilespmem:s20], [sflag:$0x3] =	stream.indirect_vreg.gather [hbm4b:s7+s3], $0x80, v4, vm0, $0xb8;
	[tilespmem:$0x18200] =	vst v63  }
0x25c: {  	s20 =	simm.s32 $0x16200  }
0x25d: {  	[tilespmem:s20], [sflag:$0x3] =	stream.indirect_vreg.gather [hbm4b:s2+s3], $0x80, v3, vm0, $0xb8;
	[tilespmem:$0x18200] =	vst v63  }
0x25e: {  	s20 =	simm.s32 $0x16A00  }
0x25f: {  	[tilespmem:s20], [sflag:$0x3] =	stream.indirect_vreg.gather [hbm4b:s5+s3], $0x80, v3, vm0, $0xb8;
	[tilespmem:$0x18200] =	vst v63  }
0x260: {  	s20 =	simm.s32 $0x17200  }
0x261: {  	[tilespmem:s20], [sflag:$0x3] =	stream.indirect_vreg.gather [hbm4b:s6+s3], $0x80, v3, vm0, $0xb8;
	[tilespmem:$0x18200] =	vst v63  }
0x262: {  	s20 =	simm.s32 $0x17A00  }
0x263: {  	[tilespmem:s20], [sflag:$0x3] =	stream.indirect_vreg.gather [hbm4b:s7+s3], $0x80, v3, vm0, $0xb8;
	[tilespmem:$0x18200] =	vst v63  }
0x264: {  	_ =	swait.ge [sflag:s29], $0x8000  }
0x265: {  	[sflag:s29] =	ssyncset.done $0x0  }
0x266: {  	s20 =	rddreg [dreg:$0xd];
	[sflag:s29] =	ssyncadd.s32 $0xFFFF8000  }
0x267: {  	[hbm4b:s20+s3] =	stream.linear.scatter [tilespmem:s24], [sflag:$0x4], $0x8000, $0x38;
	[tilespmem:$0x18200] =	vst v63  }
0x268: {  	_ =	swait.ge [sflag:s30], $0x8000  }
0x269: {  	[sflag:s30] =	ssyncset.done $0x0  }
0x26a: {  	[sflag:s30] =	ssyncadd.s32 $0xFFFF8000  }
0x26b: {  	v3 =	vld [tilespmem:$0x180];
	_ =	sdelay $0x4  }
0x26c: {  	v56 =	vshll.u32 v3, $0x3  }
0x26d: {  	v3 =	vand.u32 $0x7, v3;
	v4 =	vand.u32 $0xFFFFFFC0, v56  }
0x26e: {  	v3 =	vor.u32 v3, v4  }
0x26f: {  	v4 =	vperm.xlane v3, v0;
	_ =	sdelay $0x1  }
0x270: {  	v4 =	vadd.s32 v1, v4;
	_ =	sdelay $0x4  }
0x271: {  	[tilespmem:s24], [sflag:$0x1] =	stream.indirect_vreg.gather [hbm4b:s2+s3], $0x80, v4, vm0, $0xb8;
	[tilespmem:$0x18200] =	vst v63  }
0x272: {  	s20 =	simm.s32 $0xA00;
	v3 =	vperm.xlane v3, v2  }
0x273: {  	[tilespmem:s20], [sflag:$0x1] =	stream.indirect_vreg.gather [hbm4b:s5+s3], $0x80, v4, vm0, $0xb8;
	[tilespmem:$0x18200] =	vst v63  }
0x274: {  	v3 =	vadd.s32 v1, v3;
	s20 =	simm.s32 $0x1200  }
0x275: {  	[tilespmem:s20], [sflag:$0x1] =	stream.indirect_vreg.gather [hbm4b:s6+s3], $0x80, v4, vm0, $0xb8;
	[tilespmem:$0x18200] =	vst v63  }
0x276: {  	s11 =	simm.s32 $0x1A00  }
0x277: {  	[tilespmem:s11], [sflag:$0x1] =	stream.indirect_vreg.gather [hbm4b:s7+s3], $0x80, v4, vm0, $0xb8;
	[tilespmem:$0x18200] =	vst v63  }
0x278: {  	s11 =	simm.s32 $0x2200  }
0x279: {  	[tilespmem:s11], [sflag:$0x1] =	stream.indirect_vreg.gather [hbm4b:s2+s3], $0x80, v3, vm0, $0xb8;
	[tilespmem:$0x18200] =	vst v63  }
0x27a: {  	s11 =	simm.s32 $0x2A00  }
0x27b: {  	[tilespmem:s11], [sflag:$0x1] =	stream.indirect_vreg.gather [hbm4b:s5+s3], $0x80, v3, vm0, $0xb8;
	[tilespmem:$0x18200] =	vst v63  }
0x27c: {  	s11 =	simm.s32 $0x3200  }
0x27d: {  	[tilespmem:s11], [sflag:$0x1] =	stream.indirect_vreg.gather [hbm4b:s6+s3], $0x80, v3, vm0, $0xb8;
	[tilespmem:$0x18200] =	vst v63  }
0x27e: {  	s11 =	simm.s32 $0x3A00  }
0x27f: {  	[tilespmem:s11], [sflag:$0x1] =	stream.indirect_vreg.gather [hbm4b:s7+s3], $0x80, v3, vm0, $0xb8;
	[tilespmem:$0x18200] =	vst v63  }
0x280: {  	v3 =	vld [tilespmem:$0x190];
	_ =	sdelay $0x4  }
0x281: {  	v57 =	vshll.u32 v3, $0x3  }
0x282: {  	v3 =	vand.u32 $0x7, v3;
	v4 =	vand.u32 $0xFFFFFFC0, v57  }
0x283: {  	v3 =	vor.u32 v3, v4  }
0x284: {  	v4 =	vperm.xlane v3, v0;
	_ =	sdelay $0x1  }
0x285: {  	v4 =	vadd.s32 v1, v4;
	_ =	sdelay $0x3  }
0x286: {  	s11 =	simm.s32 $0x4200  }
0x287: {  	[tilespmem:s11], [sflag:$0x1] =	stream.indirect_vreg.gather [hbm4b:s2+s3], $0x80, v4, vm0, $0xb8;
	[tilespmem:$0x18200] =	vst v63  }
0x288: {  	v3 =	vperm.xlane v3, v2;
	s11 =	simm.s32 $0x4A00  }
0x289: {  	[tilespmem:s11], [sflag:$0x1] =	stream.indirect_vreg.gather [hbm4b:s5+s3], $0x80, v4, vm0, $0xb8;
	[tilespmem:$0x18200] =	vst v63  }
0x28a: {  	v3 =	vadd.s32 v1, v3;
	s11 =	simm.s32 $0x5200  }
0x28b: {  	[tilespmem:s11], [sflag:$0x1] =	stream.indirect_vreg.gather [hbm4b:s6+s3], $0x80, v4, vm0, $0xb8;
	[tilespmem:$0x18200] =	vst v63  }
0x28c: {  	s11 =	simm.s32 $0x5A00  }
0x28d: {  	[tilespmem:s11], [sflag:$0x1] =	stream.indirect_vreg.gather [hbm4b:s7+s3], $0x80, v4, vm0, $0xb8;
	[tilespmem:$0x18200] =	vst v63  }
0x28e: {  	s11 =	simm.s32 $0x6200  }
0x28f: {  	[tilespmem:s11], [sflag:$0x1] =	stream.indirect_vreg.gather [hbm4b:s2+s3], $0x80, v3, vm0, $0xb8;
	[tilespmem:$0x18200] =	vst v63  }
0x290: {  	s11 =	simm.s32 $0x6A00  }
0x291: {  	[tilespmem:s11], [sflag:$0x1] =	stream.indirect_vreg.gather [hbm4b:s5+s3], $0x80, v3, vm0, $0xb8;
	[tilespmem:$0x18200] =	vst v63  }
0x292: {  	s11 =	simm.s32 $0x7200  }
0x293: {  	[tilespmem:s11], [sflag:$0x1] =	stream.indirect_vreg.gather [hbm4b:s6+s3], $0x80, v3, vm0, $0xb8;
	[tilespmem:$0x18200] =	vst v63  }
0x294: {  	s11 =	simm.s32 $0x7A00  }
0x295: {  	[tilespmem:s11], [sflag:$0x1] =	stream.indirect_vreg.gather [hbm4b:s7+s3], $0x80, v3, vm0, $0xb8;
	[tilespmem:$0x18200] =	vst v63  }
0x296: {  	_ =	swait.ge [sflag:s31], $0x8000  }
0x297: {  	[sflag:s31] =	ssyncset.done $0x0  }
0x298: {  	s11 =	rddreg [dreg:$0xe];
	[sflag:s31] =	ssyncadd.s32 $0xFFFF8000  }
0x299: {  	[hbm4b:s11+s3] =	stream.linear.scatter [tilespmem:s10], [sflag:$0x5], $0x8000, $0x38;
	[tilespmem:$0x18200] =	vst v63  }
0x29a: {  	_ =	swait.ge [sflag:s0], $0x8000  }
0x29b: {  	[sflag:s0] =	ssyncset.done $0x0  }
0x29c: {  	[sflag:s0] =	ssyncadd.s32 $0xFFFF8000  }
0x29d: {  	v3 =	vld [tilespmem:$0x1A0];
	_ =	sdelay $0x4  }
0x29e: {  	v58 =	vshll.u32 v3, $0x3  }
0x29f: {  	v3 =	vand.u32 $0x7, v3;
	v4 =	vand.u32 $0xFFFFFFC0, v58  }
0x2a0: {  	v3 =	vor.u32 v3, v4  }
0x2a1: {  	v4 =	vperm.xlane v3, v0;
	_ =	sdelay $0x1  }
0x2a2: {  	v4 =	vadd.s32 v1, v4;
	_ =	sdelay $0x4  }
0x2a3: {  	[tilespmem:s10], [sflag:$0x2] =	stream.indirect_vreg.gather [hbm4b:s2+s3], $0x80, v4, vm0, $0xb8;
	[tilespmem:$0x18200] =	vst v63  }
0x2a4: {  	s21 =	simm.s32 $0x8A00;
	v3 =	vperm.xlane v3, v2  }
0x2a5: {  	[tilespmem:s21], [sflag:$0x2] =	stream.indirect_vreg.gather [hbm4b:s5+s3], $0x80, v4, vm0, $0xb8;
	[tilespmem:$0x18200] =	vst v63  }
0x2a6: {  	s12 =	simm.s32 $0x9200;
	v3 =	vadd.s32 v1, v3  }
0x2a7: {  	[tilespmem:s12], [sflag:$0x2] =	stream.indirect_vreg.gather [hbm4b:s6+s3], $0x80, v4, vm0, $0xb8;
	[tilespmem:$0x18200] =	vst v63  }
0x2a8: {  	s25 =	simm.s32 $0x9A00  }
0x2a9: {  	[tilespmem:s25], [sflag:$0x2] =	stream.indirect_vreg.gather [hbm4b:s7+s3], $0x80, v4, vm0, $0xb8;
	[tilespmem:$0x18200] =	vst v63  }
0x2aa: {  	s26 =	simm.s32 $0xA200  }
0x2ab: {  	[tilespmem:s26], [sflag:$0x2] =	stream.indirect_vreg.gather [hbm4b:s2+s3], $0x80, v3, vm0, $0xb8;
	[tilespmem:$0x18200] =	vst v63  }
0x2ac: {  	s13 =	simm.s32 $0xAA00  }
0x2ad: {  	[tilespmem:s13], [sflag:$0x2] =	stream.indirect_vreg.gather [hbm4b:s5+s3], $0x80, v3, vm0, $0xb8;
	[tilespmem:$0x18200] =	vst v63  }
0x2ae: {  	s14 =	simm.s32 $0xB200  }
0x2af: {  	[tilespmem:s14], [sflag:$0x2] =	stream.indirect_vreg.gather [hbm4b:s6+s3], $0x80, v3, vm0, $0xb8;
	[tilespmem:$0x18200] =	vst v63  }
0x2b0: {  	s22 =	simm.s32 $0xBA00  }
0x2b1: {  	[tilespmem:s22], [sflag:$0x2] =	stream.indirect_vreg.gather [hbm4b:s7+s3], $0x80, v3, vm0, $0xb8;
	[tilespmem:$0x18200] =	vst v63  }
0x2b2: {  	v3 =	vld [tilespmem:$0x1B0];
	_ =	sdelay $0x4  }
0x2b3: {  	v59 =	vshll.u32 v3, $0x3  }
0x2b4: {  	v3 =	vand.u32 $0x7, v3;
	v4 =	vand.u32 $0xFFFFFFC0, v59  }
0x2b5: {  	v3 =	vor.u32 v3, v4  }
0x2b6: {  	v4 =	vperm.xlane v3, v0;
	_ =	sdelay $0x1  }
0x2b7: {  	v4 =	vadd.s32 v1, v4;
	_ =	sdelay $0x3  }
0x2b8: {  	s23 =	simm.s32 $0xC200  }
0x2b9: {  	[tilespmem:s23], [sflag:$0x2] =	stream.indirect_vreg.gather [hbm4b:s2+s3], $0x80, v4, vm0, $0xb8;
	[tilespmem:$0x18200] =	vst v63  }
0x2ba: {  	s28 =	simm.s32 $0xCA00;
	v3 =	vperm.xlane v3, v2  }
0x2bb: {  	[tilespmem:s28], [sflag:$0x2] =	stream.indirect_vreg.gather [hbm4b:s5+s3], $0x80, v4, vm0, $0xb8;
	[tilespmem:$0x18200] =	vst v63  }
0x2bc: {  	s15 =	simm.s32 $0xD200;
	v3 =	vadd.s32 v1, v3  }
0x2bd: {  	[tilespmem:s15], [sflag:$0x2] =	stream.indirect_vreg.gather [hbm4b:s6+s3], $0x80, v4, vm0, $0xb8;
	[tilespmem:$0x18200] =	vst v63  }
0x2be: {  	s16 =	simm.s32 $0xDA00  }
0x2bf: {  	[tilespmem:s16], [sflag:$0x2] =	stream.indirect_vreg.gather [hbm4b:s7+s3], $0x80, v4, vm0, $0xb8;
	[tilespmem:$0x18200] =	vst v63  }
0x2c0: {  	s17 =	simm.s32 $0xE200  }
0x2c1: {  	[tilespmem:s17], [sflag:$0x2] =	stream.indirect_vreg.gather [hbm4b:s2+s3], $0x80, v3, vm0, $0xb8;
	[tilespmem:$0x18200] =	vst v63  }
0x2c2: {  	s18 =	simm.s32 $0xEA00  }
0x2c3: {  	[tilespmem:s18], [sflag:$0x2] =	stream.indirect_vreg.gather [hbm4b:s5+s3], $0x80, v3, vm0, $0xb8;
	[tilespmem:$0x18200] =	vst v63  }
0x2c4: {  	s19 =	simm.s32 $0xF200  }
0x2c5: {  	[tilespmem:s19], [sflag:$0x2] =	stream.indirect_vreg.gather [hbm4b:s6+s3], $0x80, v3, vm0, $0xb8;
	[tilespmem:$0x18200] =	vst v63  }
0x2c6: {  	s21 =	simm.s32 $0xFA00  }
0x2c7: {  	[tilespmem:s21], [sflag:$0x2] =	stream.indirect_vreg.gather [hbm4b:s7+s3], $0x80, v3, vm0, $0xb8;
	[tilespmem:$0x18200] =	vst v63  }
0x2c8: {  	_ =	swait.ge [sflag:s1], $0x8000  }
0x2c9: {  	[sflag:s1] =	ssyncset.done $0x0  }
0x2ca: {  	s22 =	rddreg [dreg:$0xf];
	[sflag:s1] =	ssyncadd.s32 $0xFFFF8000  }
0x2cb: {  	[hbm4b:s22+s3] =	stream.linear.scatter [tilespmem:s9], [sflag:$0x6], $0x8000, $0x38;
	[tilespmem:$0x18200] =	vst v63  }
0x2cc: {  	_ =	swait.ge [sflag:s4], $0x8000  }
0x2cd: {  	[sflag:s4] =	ssyncset.done $0x0  }
0x2ce: {  	[sflag:s4] =	ssyncadd.s32 $0xFFFF8000  }
0x2cf: {  	v3 =	vld [tilespmem:$0x1C0];
	_ =	sdelay $0x4  }
0x2d0: {  	v60 =	vshll.u32 v3, $0x3  }
0x2d1: {  	v3 =	vand.u32 $0x7, v3;
	v4 =	vand.u32 $0xFFFFFFC0, v60  }
0x2d2: {  	v3 =	vor.u32 v3, v4  }
0x2d3: {  	v4 =	vperm.xlane v3, v0;
	_ =	sdelay $0x1  }
0x2d4: {  	v4 =	vadd.s32 v1, v4;
	_ =	sdelay $0x4  }
0x2d5: {  	[tilespmem:s9], [sflag:$0x3] =	stream.indirect_vreg.gather [hbm4b:s2+s3], $0x80, v4, vm0, $0xb8;
	[tilespmem:$0x18200] =	vst v63  }
0x2d6: {  	s23 =	simm.s32 $0x10A00;
	v3 =	vperm.xlane v3, v2  }
0x2d7: {  	[tilespmem:s23], [sflag:$0x3] =	stream.indirect_vreg.gather [hbm4b:s5+s3], $0x80, v4, vm0, $0xb8;
	[tilespmem:$0x18200] =	vst v63  }
0x2d8: {  	s25 =	simm.s32 $0x11200;
	v3 =	vadd.s32 v1, v3  }
0x2d9: {  	[tilespmem:s25], [sflag:$0x3] =	stream.indirect_vreg.gather [hbm4b:s6+s3], $0x80, v4, vm0, $0xb8;
	[tilespmem:$0x18200] =	vst v63  }
0x2da: {  	s26 =	simm.s32 $0x11A00  }
0x2db: {  	[tilespmem:s26], [sflag:$0x3] =	stream.indirect_vreg.gather [hbm4b:s7+s3], $0x80, v4, vm0, $0xb8;
	[tilespmem:$0x18200] =	vst v63  }
0x2dc: {  	s28 =	simm.s32 $0x12200  }
0x2dd: {  	[tilespmem:s28], [sflag:$0x3] =	stream.indirect_vreg.gather [hbm4b:s2+s3], $0x80, v3, vm0, $0xb8;
	[tilespmem:$0x18200] =	vst v63  }
0x2de: {  	s12 =	simm.s32 $0x12A00  }
0x2df: {  	[tilespmem:s12], [sflag:$0x3] =	stream.indirect_vreg.gather [hbm4b:s5+s3], $0x80, v3, vm0, $0xb8;
	[tilespmem:$0x18200] =	vst v63  }
0x2e0: {  	s13 =	simm.s32 $0x13200  }
0x2e1: {  	[tilespmem:s13], [sflag:$0x3] =	stream.indirect_vreg.gather [hbm4b:s6+s3], $0x80, v3, vm0, $0xb8;
	[tilespmem:$0x18200] =	vst v63  }
0x2e2: {  	s14 =	simm.s32 $0x13A00  }
0x2e3: {  	[tilespmem:s14], [sflag:$0x3] =	stream.indirect_vreg.gather [hbm4b:s7+s3], $0x80, v3, vm0, $0xb8;
	[tilespmem:$0x18200] =	vst v63  }
0x2e4: {  	v3 =	vld [tilespmem:$0x1D0];
	_ =	sdelay $0x4  }
0x2e5: {  	v61 =	vshll.u32 v3, $0x3  }
0x2e6: {  	v3 =	vand.u32 $0x7, v3;
	v4 =	vand.u32 $0xFFFFFFC0, v61  }
0x2e7: {  	v3 =	vor.u32 v3, v4  }
0x2e8: {  	v4 =	vperm.xlane v3, v0;
	_ =	sdelay $0x1  }
0x2e9: {  	v4 =	vadd.s32 v1, v4;
	_ =	sdelay $0x3  }
0x2ea: {  	s15 =	simm.s32 $0x14200  }
0x2eb: {  	[tilespmem:s15], [sflag:$0x3] =	stream.indirect_vreg.gather [hbm4b:s2+s3], $0x80, v4, vm0, $0xb8;
	[tilespmem:$0x18200] =	vst v63  }
0x2ec: {  	s16 =	simm.s32 $0x14A00;
	v3 =	vperm.xlane v3, v2  }
0x2ed: {  	[tilespmem:s16], [sflag:$0x3] =	stream.indirect_vreg.gather [hbm4b:s5+s3], $0x80, v4, vm0, $0xb8;
	[tilespmem:$0x18200] =	vst v63  }
0x2ee: {  	s17 =	simm.s32 $0x15200;
	v3 =	vadd.s32 v1, v3  }
0x2ef: {  	[tilespmem:s17], [sflag:$0x3] =	stream.indirect_vreg.gather [hbm4b:s6+s3], $0x80, v4, vm0, $0xb8;
	[tilespmem:$0x18200] =	vst v63  }
0x2f0: {  	s18 =	simm.s32 $0x15A00  }
0x2f1: {  	[tilespmem:s18], [sflag:$0x3] =	stream.indirect_vreg.gather [hbm4b:s7+s3], $0x80, v4, vm0, $0xb8;
	[tilespmem:$0x18200] =	vst v63  }
0x2f2: {  	s19 =	simm.s32 $0x16200  }
0x2f3: {  	[tilespmem:s19], [sflag:$0x3] =	stream.indirect_vreg.gather [hbm4b:s2+s3], $0x80, v3, vm0, $0xb8;
	[tilespmem:$0x18200] =	vst v63  }
0x2f4: {  	s21 =	simm.s32 $0x16A00  }
0x2f5: {  	[tilespmem:s21], [sflag:$0x3] =	stream.indirect_vreg.gather [hbm4b:s5+s3], $0x80, v3, vm0, $0xb8;
	[tilespmem:$0x18200] =	vst v63  }
0x2f6: {  	s22 =	simm.s32 $0x17200  }
0x2f7: {  	[tilespmem:s22], [sflag:$0x3] =	stream.indirect_vreg.gather [hbm4b:s6+s3], $0x80, v3, vm0, $0xb8;
	[tilespmem:$0x18200] =	vst v63  }
0x2f8: {  	s23 =	simm.s32 $0x17A00  }
0x2f9: {  	[tilespmem:s23], [sflag:$0x3] =	stream.indirect_vreg.gather [hbm4b:s7+s3], $0x80, v3, vm0, $0xb8;
	[tilespmem:$0x18200] =	vst v63  }
0x2fa: {  	_ =	swait.ge [sflag:s29], $0x8000  }
0x2fb: {  	[sflag:s29] =	ssyncset.done $0x0  }
0x2fc: {  	s25 =	rddreg [dreg:$0x10];
	[sflag:s29] =	ssyncadd.s32 $0xFFFF8000  }
0x2fd: {  	[hbm4b:s25+s3] =	stream.linear.scatter [tilespmem:s24], [sflag:$0x4], $0x8000, $0x38;
	[tilespmem:$0x18200] =	vst v63  }
0x2fe: {  	_ =	swait.ge [sflag:s30], $0x8000  }
0x2ff: {  	[sflag:s30] =	ssyncset.done $0x0  }
0x300: {  	[sflag:s30] =	ssyncadd.s32 $0xFFFF8000  }
0x301: {  	v3 =	vld [tilespmem:$0x1E0];
	_ =	sdelay $0x4  }
0x302: {  	v62 =	vshll.u32 v3, $0x3  }
0x303: {  	v3 =	vand.u32 $0x7, v3;
	v4 =	vand.u32 $0xFFFFFFC0, v62  }
0x304: {  	v3 =	vor.u32 v3, v4  }
0x305: {  	v4 =	vperm.xlane v3, v0;
	_ =	sdelay $0x1  }
0x306: {  	v4 =	vadd.s32 v1, v4;
	_ =	sdelay $0x4  }
0x307: {  	[tilespmem:s24], [sflag:$0x1] =	stream.indirect_vreg.gather [hbm4b:s2+s3], $0x80, v4, vm0, $0xb8;
	[tilespmem:$0x18200] =	vst v63  }
0x308: {  	s26 =	simm.s32 $0xA00;
	v3 =	vperm.xlane v3, v2  }
0x309: {  	[tilespmem:s26], [sflag:$0x1] =	stream.indirect_vreg.gather [hbm4b:s5+s3], $0x80, v4, vm0, $0xb8;
	[tilespmem:$0x18200] =	vst v63  }
0x30a: {  	s20 =	simm.s32 $0x1200;
	v3 =	vadd.s32 v1, v3  }
0x30b: {  	[tilespmem:s20], [sflag:$0x1] =	stream.indirect_vreg.gather [hbm4b:s6+s3], $0x80, v4, vm0, $0xb8;
	[tilespmem:$0x18200] =	vst v63  }
0x30c: {  	s28 =	simm.s32 $0x1A00  }
0x30d: {  	[tilespmem:s28], [sflag:$0x1] =	stream.indirect_vreg.gather [hbm4b:s7+s3], $0x80, v4, vm0, $0xb8;
	[tilespmem:$0x18200] =	vst v63  }
0x30e: {  	s12 =	simm.s32 $0x2200  }
0x30f: {  	[tilespmem:s12], [sflag:$0x1] =	stream.indirect_vreg.gather [hbm4b:s2+s3], $0x80, v3, vm0, $0xb8;
	[tilespmem:$0x18200] =	vst v63  }
0x310: {  	s13 =	simm.s32 $0x2A00  }
0x311: {  	[tilespmem:s13], [sflag:$0x1] =	stream.indirect_vreg.gather [hbm4b:s5+s3], $0x80, v3, vm0, $0xb8;
	[tilespmem:$0x18200] =	vst v63  }
0x312: {  	s14 =	simm.s32 $0x3200  }
0x313: {  	[tilespmem:s14], [sflag:$0x1] =	stream.indirect_vreg.gather [hbm4b:s6+s3], $0x80, v3, vm0, $0xb8;
	[tilespmem:$0x18200] =	vst v63  }
0x314: {  	s15 =	simm.s32 $0x3A00  }
0x315: {  	[tilespmem:s15], [sflag:$0x1] =	stream.indirect_vreg.gather [hbm4b:s7+s3], $0x80, v3, vm0, $0xb8;
	[tilespmem:$0x18200] =	vst v63  }
0x316: {  	v3 =	vld [tilespmem:$0x1F0];
	_ =	sdelay $0x4  }
0x317: {  	v63 =	vshll.u32 v3, $0x3  }
0x318: {  	v3 =	vand.u32 $0x7, v3;
	v4 =	vand.u32 $0xFFFFFFC0, v63  }
0x319: {  	v3 =	vor.u32 v3, v4  }
0x31a: {  	v4 =	vperm.xlane v3, v0;
	_ =	sdelay $0x1  }
0x31b: {  	v4 =	vadd.s32 v1, v4;
	_ =	sdelay $0x3  }
0x31c: {  	s16 =	simm.s32 $0x4200  }
0x31d: {  	[tilespmem:s16], [sflag:$0x1] =	stream.indirect_vreg.gather [hbm4b:s2+s3], $0x80, v4, vm0, $0xb8;
	[tilespmem:$0x18200] =	vst v63  }
0x31e: {  	s17 =	simm.s32 $0x4A00;
	v3 =	vperm.xlane v3, v2  }
0x31f: {  	[tilespmem:s17], [sflag:$0x1] =	stream.indirect_vreg.gather [hbm4b:s5+s3], $0x80, v4, vm0, $0xb8;
	[tilespmem:$0x18200] =	vst v63  }
0x320: {  	s18 =	simm.s32 $0x5200;
	v3 =	vadd.s32 v1, v3  }
0x321: {  	[tilespmem:s18], [sflag:$0x1] =	stream.indirect_vreg.gather [hbm4b:s6+s3], $0x80, v4, vm0, $0xb8;
	[tilespmem:$0x18200] =	vst v63  }
0x322: {  	s19 =	simm.s32 $0x5A00  }
0x323: {  	[tilespmem:s19], [sflag:$0x1] =	stream.indirect_vreg.gather [hbm4b:s7+s3], $0x80, v4, vm0, $0xb8;
	[tilespmem:$0x18200] =	vst v63  }
0x324: {  	s20 =	simm.s32 $0x6200  }
0x325: {  	[tilespmem:s20], [sflag:$0x1] =	stream.indirect_vreg.gather [hbm4b:s2+s3], $0x80, v3, vm0, $0xb8;
	[tilespmem:$0x18200] =	vst v63  }
0x326: {  	s21 =	simm.s32 $0x6A00  }
0x327: {  	[tilespmem:s21], [sflag:$0x1] =	stream.indirect_vreg.gather [hbm4b:s5+s3], $0x80, v3, vm0, $0xb8;
	[tilespmem:$0x18200] =	vst v63  }
0x328: {  	s22 =	simm.s32 $0x7200  }
0x329: {  	[tilespmem:s22], [sflag:$0x1] =	stream.indirect_vreg.gather [hbm4b:s6+s3], $0x80, v3, vm0, $0xb8;
	[tilespmem:$0x18200] =	vst v63  }
0x32a: {  	s23 =	simm.s32 $0x7A00  }
0x32b: {  	[tilespmem:s23], [sflag:$0x1] =	stream.indirect_vreg.gather [hbm4b:s7+s3], $0x80, v3, vm0, $0xb8;
	[tilespmem:$0x18200] =	vst v63  }
0x32c: {  	_ =	swait.ge [sflag:s31], $0x8000  }
0x32d: {  	[sflag:s31] =	ssyncset.done $0x0  }
0x32e: {  	s25 =	rddreg [dreg:$0x11];
	[sflag:s31] =	ssyncadd.s32 $0xFFFF8000  }
0x32f: {  	[hbm4b:s25+s3] =	stream.linear.scatter [tilespmem:s10], [sflag:$0x5], $0x8000, $0x38;
	[tilespmem:$0x18200] =	vst v63  }
0x330: {  	_ =	swait.ge [sflag:s1], $0x8000  }
0x331: {  	[sflag:s1] =	ssyncset.done $0x0  }
0x332: {  	s26 =	rddreg [dreg:$0x12];
	[sflag:s1] =	ssyncadd.s32 $0xFFFF8000  }
0x333: {  	[hbm4b:s26+s3] =	stream.linear.scatter [tilespmem:s9], [sflag:$0x6], $0x8000, $0x38;
	[tilespmem:$0x18200] =	vst v63  }
0x334: {  	_ =	swait.ge [sflag:s29], $0x8000  }
0x335: {  	[sflag:s29] =	ssyncset.done $0x0  }
0x336: {  	s28 =	rddreg [dreg:$0x13];
	[sflag:s29] =	ssyncadd.s32 $0xFFFF8000  }
0x337: {  	[hbm4b:s28+s3] =	stream.linear.scatter [tilespmem:s24], [sflag:$0x4], $0x8000, $0x38;
	[tilespmem:$0x18200] =	vst v63  }
0x338: {  	_ =	swait.ge [sflag:s0], $0x8000  }
0x339: {  	[sflag:s0] =	ssyncset.done $0x0  }
0x33a: {  	[sflag:s0] =	ssyncadd.s32 $0xFFFF8000  }
0x33b: {  	p0 =	sne.s32 s8, $0x1;
	_ =	swait.ge [sflag:s4], $0x8000  }
.Ltmp0:
0x33c: {  	[sflag:s4] =	ssyncset.done $0x0;
	(pc) =	sbr.rel @p0 .LBB2_1-.Ltmp0, $4  }
0x33d: {  	[sflag:s4] =	ssyncadd.s32 $0xFFFF8000  }
0x33e: {  	_ =	swait.ge [sflag:s30], $0x8000  }
0x33f: {  	[sflag:s30] =	ssyncset.done $0x0  }
0x340: {  	s8 =	sadd.s32 $0xFFFFFFFF, s8;
	[sflag:s30] =	ssyncadd.s32 $0xFFFF8000  }
0x341: {  	_ =	sfence.sel $0x180000  }
0x342: {  	[bflag:$0x0] =	sbarrier.arrive $0xFFFF  }
0x343: {  	_ =	strace $0x90000047  }
0x344: {  	s0 =	stileid.u32;
	[bflag:$0x2] =	sbarrier.arrive $0xFFFF  }
0x345: {  	p0 =	sne.s32 s0, $0x0;
	s0 =	rddreg [dreg:$0x3]  }
0x346: {  	s0 =	sadd.s32 @!p0 $0x100000, s0  }
0x347: {  	[sflag:s0] =	ssyncadd.tile.s32 @!p0 $0x1;
	_ =	shalt  }
.Lfunc_end2:
_tile_overlayer_lowered:
.L_overlay_start_2:
0x348: {  	(tag) =	ssettag $0x2  }
0x349: {  	s0 =	rddreg [dreg:$0x0];
	s2 =	stileid.u32  }
0x34a: {  	s1 =	rddreg [dreg:$0x1];
	p0 =	sne.s32 s2, $0x0  }
0x34b: {  	s3 =	rddreg [dreg:$0x2];
	[bflag:$0x3] =	sbarrier.arrive $0xFFFF;
	s2 =	simm.s32 @!p0 $0x1C07  }
0x34c: {  	[timem:s3], [sflag:s2] =	dma.local @!p0 [hbm:s0], s1  }
0x34d: {  	s0 =	simm.s32 @!p0 $0x7  }
0x34e: {  	_ =	swait.ge @!p0 [sflag:s0], s1  }
0x34f: {  	s1 =	ssub.s32 @!p0 $0x0, s1;
	[sflag:s0] =	ssyncset.done @!p0 $0x0  }
0x350: {  	[sflag:s0] =	ssyncadd.s32 @!p0 s1  }
0x351: {  	[bflag:$0x3] =	sbarrier.arrive $0xFFFF  }
0x352: {  	_ =	shalt  }

</sc_bundles>
